<compile_context>
chip_gen: v7x
topology: tpu7x:2x2x1
jax: 0.10.2.dev20260603
libtpu: 0.0.44.dev20260713+nightly
codegen_flags: <defaults>
</compile_context>

<pallas_src>
import functools

import jax
import jax.numpy as jnp
from jax import lax
from jax.experimental import pallas as pl
from jax.experimental.pallas import tpu as pltpu
from jax.experimental.pallas import tpu_sc as plsc

_SELU_ALPHA = 1.6732632423543772
_SELU_SCALE = 1.0507009873554805


def _sc_gather_t(tableT, idx):
    D, V = tableT.shape
    B = idx.shape[0]
    info = plsc.get_sparse_core_info()
    nc, ns = info.num_cores, info.num_subcores
    nw = nc * ns
    f_per_w = -(-D // nw)
    n_active = -(-D // f_per_w)
    nh = 2
    bh = B // nh
    L = 16
    mesh = plsc.VectorSubcoreMesh(core_axis_name="c", subcore_axis_name="s")

    @functools.partial(
        pl.kernel,
        mesh=mesh,
        compiler_params=pltpu.CompilerParams(use_tc_tiling_on_sc=True, needs_layout_passes=False),
        out_type=jax.ShapeDtypeStruct((D, B), jnp.float32),
        scratch_types=[
            pltpu.VMEM((1, V), jnp.float32),
            pltpu.VMEM((B,), jnp.int32),
            pltpu.VMEM((bh,), jnp.float32),
        ],
    )
    def k(tableT_hbm, idx_hbm, out_hbm, row_v, idx_v, out_v):
        wid = lax.axis_index("s") * nc + lax.axis_index("c")
        pltpu.sync_copy(idx_hbm, idx_v)

        @pl.when(wid < n_active)
        def _():
            for kf in range(f_per_w):
                c = wid * f_per_w + kf

                @pl.when(c < D)
                def _():
                    pltpu.sync_copy(tableT_hbm.at[pl.ds(c, 1)], row_v)
                    for h in range(nh):

                        zv = jax.lax.broadcasted_iota(jnp.int32, (L,), 0) * 0

                        def body(i, carry):
                            iv = idx_v[pl.ds(h * bh + i * L, L)]
                            out_v[pl.ds(i * L, L)] = plsc.load_gather(row_v, [zv, iv])
                            return carry

                        lax.fori_loop(0, bh // L, body, 0)
                        pltpu.sync_copy(
                            out_v, out_hbm.at[c, pl.ds(h * bh, bh)]
                        )

    return k(tableT, idx)


def _mlp_t_body(x_ref, w1_ref, b1_ref, w2_ref, b2_ref, w3_ref, b3_ref, o_ref):
    cn = (((0,), (0,)), ((), ()))
    x = x_ref[...]
    h = lax.dot_general(w1_ref[...], x, cn, preferred_element_type=jnp.float32)
    h = h + b1_ref[...]
    h = _SELU_SCALE * jnp.where(h > 0, h, _SELU_ALPHA * (jnp.exp(h) - 1.0))
    h = lax.dot_general(w2_ref[...], h, cn, preferred_element_type=jnp.float32)
    h = jnp.tanh(h + b2_ref[...])
    o = lax.dot_general(w3_ref[...], h, cn, preferred_element_type=jnp.float32)
    o_ref[...] = o + b3_ref[...]


def _tc_mlp_t(xT, W1, b1, W2, b2, W3, b3):
    D, B = xT.shape
    BS = 2048
    grid = (B // BS,)
    return pl.pallas_call(
        _mlp_t_body,
        grid=grid,
        in_specs=[
            pl.BlockSpec((D, BS), lambda i: (0, i)),
            pl.BlockSpec((D, D), lambda i: (0, 0)),
            pl.BlockSpec((D, 1), lambda i: (0, 0)),
            pl.BlockSpec((D, D), lambda i: (0, 0)),
            pl.BlockSpec((D, 1), lambda i: (0, 0)),
            pl.BlockSpec((D, 1), lambda i: (0, 0)),
            pl.BlockSpec((1, 1), lambda i: (0, 0)),
        ],
        out_specs=pl.BlockSpec((1, BS), lambda i: (0, i)),
        out_shape=jax.ShapeDtypeStruct((1, B), jnp.float32),
    )(xT, W1, b1.reshape(D, 1), W2, b2.reshape(D, 1), W3, b3.reshape(1, 1))


def kernel(vocab_ids, table, W1, b1, W2, b2, W3, b3):
    xT = _sc_gather_t(table.T, vocab_ids)
    outT = _tc_mlp_t(xT, W1, b1, W2, b2, W3, b3)
    return outT.T

# --- scband reference (transcript-rebuilt; emitter-appended) ---
"""Pipeline reference for scband-spelling-model-4758823764230 (READ-ONLY COPY).

The authoritative reference and input builder live on the scoring server;
editing this copy changes nothing except your own understanding.
"""

import jax, jax.numpy as jnp
import numpy as np

VOCAB = 100010
DIM = 100
B = 16384

def setup_inputs(seed: int = 0) -> dict:
    key = jax.random.key(seed)
    ks = jax.random.split(key, 8)
    vocab_ids = jax.random.randint(ks[0], (B,), 0, 100000, dtype=jnp.int64 if jax.config.jax_enable_x64 else jnp.int32).astype(jnp.int32)
    table = jax.random.normal(ks[1], (VOCAB, DIM), dtype=jnp.float32) * 0.01
    W1 = jax.random.normal(ks[2], (DIM, DIM), dtype=jnp.float32) * (1.0 / np.sqrt(DIM))
    b1 = jnp.zeros((DIM,), dtype=jnp.float32)
    W2 = jax.random.normal(ks[3], (DIM, DIM), dtype=jnp.float32) * (1.0 / np.sqrt(DIM))
    b2 = jnp.zeros((DIM,), dtype=jnp.float32)
    W3 = jax.random.normal(ks[4], (DIM, 1), dtype=jnp.float32) * (1.0 / np.sqrt(DIM))
    b3 = jnp.zeros((1,), dtype=jnp.float32)
    return {"vocab_ids": vocab_ids, "table": table, "W1": W1, "b1": b1, "W2": W2, "b2": b2, "W3": W3, "b3": b3}

def reference(vocab_ids, table, W1, b1, W2, b2, W3, b3):
    # frozen embedding lookup
    x = jnp.take(table, vocab_ids, axis=0)            # [B, DIM]
    # ff: Linear -> SELU -> Linear -> Tanh -> Dropout(eval: identity) -> Linear
    h = jax.nn.selu(x @ W1 + b1)
    h = jnp.tanh(h @ W2 + b2)
    out = h @ W3 + b3                                 # [B, 1]
    return out

if __name__ == "__main__":
    import jax
    _d = setup_inputs()
    print(jax.jit(kernel)(*tuple(_d.values())))

</pallas_src>

<mosaic_0001>
#map = affine_map<(d0, d1) -> (0, 0)>
#map1 = affine_map<(d0, d1) -> (0)>
module attributes {stable_mosaic.version = 14 : i64} {
  func.func @k(%arg0: i32, %arg1: i32, %arg2: memref<100x100010xf32, #tpu.memory_space<hbm>>, %arg3: memref<16384xi32, #tpu.memory_space<hbm>>, %arg4: memref<100x16384xf32, #tpu.memory_space<hbm>>, %arg5: memref<1x100010xf32, #tpu.memory_space<vmem>>, %arg6: memref<16384xi32, #tpu.memory_space<vmem>>, %arg7: memref<8192xf32, #tpu.memory_space<vmem>>) attributes {dimension_semantics = [#tpu.dimension_semantics<core_parallel>, #tpu.dimension_semantics<subcore_parallel>], iteration_bounds = array<i64: 2, 16>, scalar_prefetch = 0 : i64, scratch_operands = 3 : i64, tpu.core_type = #tpu.core_type<sc_vector_subcore>, window_params = [{transform_indices = #map}, {transform_indices = #map1}, {transform_indices = #map}]} {
    %mul3A = arith.constant 2 : i32
    %mul3A_0 = arith.muli %arg1, %mul3A : i32
    %add3A = arith.addi %mul3A_0, %arg0 : i32
    "tpu.region"() ({
      %run_scoped3A = tpu.sem_alloc : memref<!tpu.dma_semaphore, #tpu.memory_space<semaphore_mem>>
      tpu.enqueue_dma source(%arg3 : memref<16384xi32, #tpu.memory_space<hbm>>) target(%arg6 : memref<16384xi32, #tpu.memory_space<vmem>>) target_semaphore(%run_scoped3A : memref<!tpu.dma_semaphore, #tpu.memory_space<semaphore_mem>>)
      tpu.wait_dma2 semaphore(%run_scoped3A : memref<!tpu.dma_semaphore, #tpu.memory_space<semaphore_mem>>) src(%arg3 : memref<16384xi32, #tpu.memory_space<hbm>>) dst(%arg6 : memref<16384xi32, #tpu.memory_space<vmem>>)
      tpu.yield
    }) : () -> ()
    %lt3A = arith.constant 25 : i32
    %lt3A_1 = arith.cmpi slt, %add3A, %lt3A : i32
    %convert_element_type3A = arith.extui %lt3A_1 : i1 to i32
    %cond3A = arith.constant 0 : i32
    %cond3A_2 = arith.cmpi ne, %convert_element_type3A, %cond3A : i32
    scf.if %cond3A_2 {
      %mul3A_3 = arith.constant 4 : i32
      %mul3A_4 = arith.muli %add3A, %mul3A_3 : i32
      %add3A_5 = arith.constant 0 : i32
      %add3A_6 = arith.addi %mul3A_4, %add3A_5 : i32
      %lt3A_7 = arith.constant 100 : i32
      %lt3A_8 = arith.cmpi slt, %add3A_6, %lt3A_7 : i32
      %convert_element_type3A_9 = arith.extui %lt3A_8 : i1 to i32
      %cond3A_10 = arith.constant 0 : i32
      %cond3A_11 = arith.cmpi ne, %convert_element_type3A_9, %cond3A_10 : i32
      scf.if %cond3A_11 {
        "tpu.region"() ({
          %run_scoped3A = tpu.sem_alloc : memref<!tpu.dma_semaphore, #tpu.memory_space<semaphore_mem>>
          %dma_start3A = arith.constant 0 : i32
          %dma_start3A_57 = tpu.memref_slice %arg2[%add3A_6, %dma_start3A] : memref<100x100010xf32, #tpu.memory_space<hbm>> -> memref<1x100010xf32, #tpu.memory_space<hbm>>
          %dma_start3A_58 = arith.constant 0 : i32
          %dma_start3A_59 = tpu.memref_slice %arg2[%add3A_6, %dma_start3A_58] : memref<100x100010xf32, #tpu.memory_space<hbm>> -> memref<1x100010xf32, #tpu.memory_space<hbm>>
          tpu.enqueue_dma source(%dma_start3A_59 : memref<1x100010xf32, #tpu.memory_space<hbm>>) target(%arg5 : memref<1x100010xf32, #tpu.memory_space<vmem>>) target_semaphore(%run_scoped3A : memref<!tpu.dma_semaphore, #tpu.memory_space<semaphore_mem>>)
          %dma_wait3A = arith.constant 0 : i32
          %dma_wait3A_60 = tpu.memref_slice %arg2[%add3A_6, %dma_wait3A] : memref<100x100010xf32, #tpu.memory_space<hbm>> -> memref<1x100010xf32, #tpu.memory_space<hbm>>
          %dma_wait3A_61 = arith.constant 0 : i32
          %dma_wait3A_62 = tpu.memref_slice %arg2[%add3A_6, %dma_wait3A_61] : memref<100x100010xf32, #tpu.memory_space<hbm>> -> memref<1x100010xf32, #tpu.memory_space<hbm>>
          tpu.wait_dma2 semaphore(%run_scoped3A : memref<!tpu.dma_semaphore, #tpu.memory_space<semaphore_mem>>) src(%dma_wait3A_62 : memref<1x100010xf32, #tpu.memory_space<hbm>>) dst(%arg5 : memref<1x100010xf32, #tpu.memory_space<vmem>>)
          tpu.yield
        }) : () -> ()
        %iota3A = tpu.iota {dimensions = array<i32: 0>} : vector<16xi32>
        %mul3A_39 = arith.constant 0 : i32
        %mul3A_40 = vector.broadcast %mul3A_39 : i32 to vector<16xi32>
        %mul3A_41 = arith.muli %iota3A, %mul3A_40 : vector<16xi32>
        %scan3A = arith.constant 0 : i32
        %scan3A_42 = arith.constant 0 : i32
        %scan3A_43 = arith.constant 512 : i32
        %scan3A_44 = arith.addi %scan3A_42, %scan3A_43 : i32
        %scan3A_45 = arith.constant 1 : i32
        scf.for %scan3A_57 = %scan3A_42 to %scan3A_44 step %scan3A_45  : i32 {
          %mul3A_58 = arith.constant 16 : i32
          %mul3A_59 = arith.muli %scan3A_57, %mul3A_58 : i32
          %add3A_60 = arith.constant 0 : i32
          %add3A_61 = arith.addi %add3A_60, %mul3A_59 : i32
          %get3A = arith.index_cast %add3A_61 : i32 to index
          %get3A_62 = tpu.vector_load %arg6[%get3A] {strides = array<i32>} : memref<16384xi32, #tpu.memory_space<vmem>>, vector<16xi32>,
          %gather3A = tpu.vector_load_idx %arg5[%mul3A_41, %get3A_62] : memref<1x100010xf32, #tpu.memory_space<vmem>>[vector<16xi32>, vector<16xi32>], vector<16xf32>,
          %mul3A_63 = arith.constant 16 : i32
          %mul3A_64 = arith.muli %scan3A_57, %mul3A_63 : i32
          %swap3A = arith.index_cast %mul3A_64 : i32 to index
          %swap3A_65 = tpu.vector_load %arg7[%swap3A] {strides = array<i32>} : memref<8192xf32, #tpu.memory_space<vmem>>, vector<16xf32>,
          tpu.vector_store %arg7[%swap3A], %gather3A {strides = array<i32>} : memref<8192xf32, #tpu.memory_space<vmem>>, vector<16xf32>,
        }
        %scan3A_46 = arith.constant 512 : i32
        "tpu.region"() ({
          %run_scoped3A = tpu.sem_alloc : memref<!tpu.dma_semaphore, #tpu.memory_space<semaphore_mem>>
          %dma_start3A = arith.constant 0 : i32
          %dma_start3A_57 = tpu.memref_slice %arg4[%add3A_6, %dma_start3A] : memref<100x16384xf32, #tpu.memory_space<hbm>> -> memref<1x8192xf32, #tpu.memory_space<hbm>>
          %dma_start3A_58 = tpu.memref_squeeze %dma_start3A_57 : memref<1x8192xf32, #tpu.memory_space<hbm>> -> memref<8192xf32, #tpu.memory_space<hbm>>
          %dma_start3A_59 = arith.constant 0 : i32
          %dma_start3A_60 = tpu.memref_slice %arg4[%add3A_6, %dma_start3A_59] : memref<100x16384xf32, #tpu.memory_space<hbm>> -> memref<1x8192xf32, #tpu.memory_space<hbm>>
          %dma_start3A_61 = tpu.memref_squeeze %dma_start3A_60 : memref<1x8192xf32, #tpu.memory_space<hbm>> -> memref<8192xf32, #tpu.memory_space<hbm>>
          tpu.enqueue_dma source(%arg7 : memref<8192xf32, #tpu.memory_space<vmem>>) target(%dma_start3A_61 : memref<8192xf32, #tpu.memory_space<hbm>>) target_semaphore(%run_scoped3A : memref<!tpu.dma_semaphore, #tpu.memory_space<semaphore_mem>>)
          %dma_wait3A = arith.constant 0 : i32
          %dma_wait3A_62 = tpu.memref_slice %arg4[%add3A_6, %dma_wait3A] : memref<100x16384xf32, #tpu.memory_space<hbm>> -> memref<1x8192xf32, #tpu.memory_space<hbm>>
          %dma_wait3A_63 = tpu.memref_squeeze %dma_wait3A_62 : memref<1x8192xf32, #tpu.memory_space<hbm>> -> memref<8192xf32, #tpu.memory_space<hbm>>
          %dma_wait3A_64 = arith.constant 0 : i32
          %dma_wait3A_65 = tpu.memref_slice %arg4[%add3A_6, %dma_wait3A_64] : memref<100x16384xf32, #tpu.memory_space<hbm>> -> memref<1x8192xf32, #tpu.memory_space<hbm>>
          %dma_wait3A_66 = tpu.memref_squeeze %dma_wait3A_65 : memref<1x8192xf32, #tpu.memory_space<hbm>> -> memref<8192xf32, #tpu.memory_space<hbm>>
          tpu.wait_dma2 semaphore(%run_scoped3A : memref<!tpu.dma_semaphore, #tpu.memory_space<semaphore_mem>>) src(%arg7 : memref<8192xf32, #tpu.memory_space<vmem>>) dst(%dma_wait3A_66 : memref<8192xf32, #tpu.memory_space<hbm>>)
          tpu.yield
        }) : () -> ()
        %iota3A_47 = tpu.iota {dimensions = array<i32: 0>} : vector<16xi32>
        %mul3A_48 = arith.constant 0 : i32
        %mul3A_49 = vector.broadcast %mul3A_48 : i32 to vector<16xi32>
        %mul3A_50 = arith.muli %iota3A_47, %mul3A_49 : vector<16xi32>
        %scan3A_51 = arith.constant 0 : i32
        %scan3A_52 = arith.constant 0 : i32
        %scan3A_53 = arith.constant 512 : i32
        %scan3A_54 = arith.addi %scan3A_52, %scan3A_53 : i32
        %scan3A_55 = arith.constant 1 : i32
        scf.for %scan3A_57 = %scan3A_52 to %scan3A_54 step %scan3A_55  : i32 {
          %mul3A_58 = arith.constant 16 : i32
          %mul3A_59 = arith.muli %scan3A_57, %mul3A_58 : i32
          %add3A_60 = arith.constant 8192 : i32
          %add3A_61 = arith.addi %add3A_60, %mul3A_59 : i32
          %get3A = arith.index_cast %add3A_61 : i32 to index
          %get3A_62 = tpu.vector_load %arg6[%get3A] {strides = array<i32>} : memref<16384xi32, #tpu.memory_space<vmem>>, vector<16xi32>,
          %gather3A = tpu.vector_load_idx %arg5[%mul3A_50, %get3A_62] : memref<1x100010xf32, #tpu.memory_space<vmem>>[vector<16xi32>, vector<16xi32>], vector<16xf32>,
          %mul3A_63 = arith.constant 16 : i32
          %mul3A_64 = arith.muli %scan3A_57, %mul3A_63 : i32
          %swap3A = arith.index_cast %mul3A_64 : i32 to index
          %swap3A_65 = tpu.vector_load %arg7[%swap3A] {strides = array<i32>} : memref<8192xf32, #tpu.memory_space<vmem>>, vector<16xf32>,
          tpu.vector_store %arg7[%swap3A], %gather3A {strides = array<i32>} : memref<8192xf32, #tpu.memory_space<vmem>>, vector<16xf32>,
        }
        %scan3A_56 = arith.constant 512 : i32
        "tpu.region"() ({
          %run_scoped3A = tpu.sem_alloc : memref<!tpu.dma_semaphore, #tpu.memory_space<semaphore_mem>>
          %dma_start3A = arith.constant 8192 : i32
          %dma_start3A_57 = tpu.memref_slice %arg4[%add3A_6, %dma_start3A] : memref<100x16384xf32, #tpu.memory_space<hbm>> -> memref<1x8192xf32, #tpu.memory_space<hbm>>
          %dma_start3A_58 = tpu.memref_squeeze %dma_start3A_57 : memref<1x8192xf32, #tpu.memory_space<hbm>> -> memref<8192xf32, #tpu.memory_space<hbm>>
          %dma_start3A_59 = arith.constant 8192 : i32
          %dma_start3A_60 = tpu.memref_slice %arg4[%add3A_6, %dma_start3A_59] : memref<100x16384xf32, #tpu.memory_space<hbm>> -> memref<1x8192xf32, #tpu.memory_space<hbm>>
          %dma_start3A_61 = tpu.memref_squeeze %dma_start3A_60 : memref<1x8192xf32, #tpu.memory_space<hbm>> -> memref<8192xf32, #tpu.memory_space<hbm>>
          tpu.enqueue_dma source(%arg7 : memref<8192xf32, #tpu.memory_space<vmem>>) target(%dma_start3A_61 : memref<8192xf32, #tpu.memory_space<hbm>>) target_semaphore(%run_scoped3A : memref<!tpu.dma_semaphore, #tpu.memory_space<semaphore_mem>>)
          %dma_wait3A = arith.constant 8192 : i32
          %dma_wait3A_62 = tpu.memref_slice %arg4[%add3A_6, %dma_wait3A] : memref<100x16384xf32, #tpu.memory_space<hbm>> -> memref<1x8192xf32, #tpu.memory_space<hbm>>
          %dma_wait3A_63 = tpu.memref_squeeze %dma_wait3A_62 : memref<1x8192xf32, #tpu.memory_space<hbm>> -> memref<8192xf32, #tpu.memory_space<hbm>>
          %dma_wait3A_64 = arith.constant 8192 : i32
          %dma_wait3A_65 = tpu.memref_slice %arg4[%add3A_6, %dma_wait3A_64] : memref<100x16384xf32, #tpu.memory_space<hbm>> -> memref<1x8192xf32, #tpu.memory_space<hbm>>
          %dma_wait3A_66 = tpu.memref_squeeze %dma_wait3A_65 : memref<1x8192xf32, #tpu.memory_space<hbm>> -> memref<8192xf32, #tpu.memory_space<hbm>>
          tpu.wait_dma2 semaphore(%run_scoped3A : memref<!tpu.dma_semaphore, #tpu.memory_space<semaphore_mem>>) src(%arg7 : memref<8192xf32, #tpu.memory_space<vmem>>) dst(%dma_wait3A_66 : memref<8192xf32, #tpu.memory_space<hbm>>)
          tpu.yield
        }) : () -> ()
      } else {
      }
      %mul3A_12 = arith.constant 4 : i32
      %mul3A_13 = arith.muli %add3A, %mul3A_12 : i32
      %add3A_14 = arith.constant 1 : i32
      %add3A_15 = arith.addi %mul3A_13, %add3A_14 : i32
      %lt3A_16 = arith.constant 100 : i32
      %lt3A_17 = arith.cmpi slt, %add3A_15, %lt3A_16 : i32
      %convert_element_type3A_18 = arith.extui %lt3A_17 : i1 to i32
      %cond3A_19 = arith.constant 0 : i32
      %cond3A_20 = arith.cmpi ne, %convert_element_type3A_18, %cond3A_19 : i32
      scf.if %cond3A_20 {
        "tpu.region"() ({
          %run_scoped3A = tpu.sem_alloc : memref<!tpu.dma_semaphore, #tpu.memory_space<semaphore_mem>>
          %dma_start3A = arith.constant 0 : i32
          %dma_start3A_57 = tpu.memref_slice %arg2[%add3A_15, %dma_start3A] : memref<100x100010xf32, #tpu.memory_space<hbm>> -> memref<1x100010xf32, #tpu.memory_space<hbm>>
          %dma_start3A_58 = arith.constant 0 : i32
          %dma_start3A_59 = tpu.memref_slice %arg2[%add3A_15, %dma_start3A_58] : memref<100x100010xf32, #tpu.memory_space<hbm>> -> memref<1x100010xf32, #tpu.memory_space<hbm>>
          tpu.enqueue_dma source(%dma_start3A_59 : memref<1x100010xf32, #tpu.memory_space<hbm>>) target(%arg5 : memref<1x100010xf32, #tpu.memory_space<vmem>>) target_semaphore(%run_scoped3A : memref<!tpu.dma_semaphore, #tpu.memory_space<semaphore_mem>>)
          %dma_wait3A = arith.constant 0 : i32
          %dma_wait3A_60 = tpu.memref_slice %arg2[%add3A_15, %dma_wait3A] : memref<100x100010xf32, #tpu.memory_space<hbm>> -> memref<1x100010xf32, #tpu.memory_space<hbm>>
          %dma_wait3A_61 = arith.constant 0 : i32
          %dma_wait3A_62 = tpu.memref_slice %arg2[%add3A_15, %dma_wait3A_61] : memref<100x100010xf32, #tpu.memory_space<hbm>> -> memref<1x100010xf32, #tpu.memory_space<hbm>>
          tpu.wait_dma2 semaphore(%run_scoped3A : memref<!tpu.dma_semaphore, #tpu.memory_space<semaphore_mem>>) src(%dma_wait3A_62 : memref<1x100010xf32, #tpu.memory_space<hbm>>) dst(%arg5 : memref<1x100010xf32, #tpu.memory_space<vmem>>)
          tpu.yield
        }) : () -> ()
        %iota3A = tpu.iota {dimensions = array<i32: 0>} : vector<16xi32>
        %mul3A_39 = arith.constant 0 : i32
        %mul3A_40 = vector.broadcast %mul3A_39 : i32 to vector<16xi32>
        %mul3A_41 = arith.muli %iota3A, %mul3A_40 : vector<16xi32>
        %scan3A = arith.constant 0 : i32
        %scan3A_42 = arith.constant 0 : i32
        %scan3A_43 = arith.constant 512 : i32
        %scan3A_44 = arith.addi %scan3A_42, %scan3A_43 : i32
        %scan3A_45 = arith.constant 1 : i32
        scf.for %scan3A_57 = %scan3A_42 to %scan3A_44 step %scan3A_45  : i32 {
          %mul3A_58 = arith.constant 16 : i32
          %mul3A_59 = arith.muli %scan3A_57, %mul3A_58 : i32
          %add3A_60 = arith.constant 0 : i32
          %add3A_61 = arith.addi %add3A_60, %mul3A_59 : i32
          %get3A = arith.index_cast %add3A_61 : i32 to index
          %get3A_62 = tpu.vector_load %arg6[%get3A] {strides = array<i32>} : memref<16384xi32, #tpu.memory_space<vmem>>, vector<16xi32>,
          %gather3A = tpu.vector_load_idx %arg5[%mul3A_41, %get3A_62] : memref<1x100010xf32, #tpu.memory_space<vmem>>[vector<16xi32>, vector<16xi32>], vector<16xf32>,
          %mul3A_63 = arith.constant 16 : i32
          %mul3A_64 = arith.muli %scan3A_57, %mul3A_63 : i32
          %swap3A = arith.index_cast %mul3A_64 : i32 to index
          %swap3A_65 = tpu.vector_load %arg7[%swap3A] {strides = array<i32>} : memref<8192xf32, #tpu.memory_space<vmem>>, vector<16xf32>,
          tpu.vector_store %arg7[%swap3A], %gather3A {strides = array<i32>} : memref<8192xf32, #tpu.memory_space<vmem>>, vector<16xf32>,
        }
        %scan3A_46 = arith.constant 512 : i32
        "tpu.region"() ({
          %run_scoped3A = tpu.sem_alloc : memref<!tpu.dma_semaphore, #tpu.memory_space<semaphore_mem>>
          %dma_start3A = arith.constant 0 : i32
          %dma_start3A_57 = tpu.memref_slice %arg4[%add3A_15, %dma_start3A] : memref<100x16384xf32, #tpu.memory_space<hbm>> -> memref<1x8192xf32, #tpu.memory_space<hbm>>
          %dma_start3A_58 = tpu.memref_squeeze %dma_start3A_57 : memref<1x8192xf32, #tpu.memory_space<hbm>> -> memref<8192xf32, #tpu.memory_space<hbm>>
          %dma_start3A_59 = arith.constant 0 : i32
          %dma_start3A_60 = tpu.memref_slice %arg4[%add3A_15, %dma_start3A_59] : memref<100x16384xf32, #tpu.memory_space<hbm>> -> memref<1x8192xf32, #tpu.memory_space<hbm>>
          %dma_start3A_61 = tpu.memref_squeeze %dma_start3A_60 : memref<1x8192xf32, #tpu.memory_space<hbm>> -> memref<8192xf32, #tpu.memory_space<hbm>>
          tpu.enqueue_dma source(%arg7 : memref<8192xf32, #tpu.memory_space<vmem>>) target(%dma_start3A_61 : memref<8192xf32, #tpu.memory_space<hbm>>) target_semaphore(%run_scoped3A : memref<!tpu.dma_semaphore, #tpu.memory_space<semaphore_mem>>)
          %dma_wait3A = arith.constant 0 : i32
          %dma_wait3A_62 = tpu.memref_slice %arg4[%add3A_15, %dma_wait3A] : memref<100x16384xf32, #tpu.memory_space<hbm>> -> memref<1x8192xf32, #tpu.memory_space<hbm>>
          %dma_wait3A_63 = tpu.memref_squeeze %dma_wait3A_62 : memref<1x8192xf32, #tpu.memory_space<hbm>> -> memref<8192xf32, #tpu.memory_space<hbm>>
          %dma_wait3A_64 = arith.constant 0 : i32
          %dma_wait3A_65 = tpu.memref_slice %arg4[%add3A_15, %dma_wait3A_64] : memref<100x16384xf32, #tpu.memory_space<hbm>> -> memref<1x8192xf32, #tpu.memory_space<hbm>>
          %dma_wait3A_66 = tpu.memref_squeeze %dma_wait3A_65 : memref<1x8192xf32, #tpu.memory_space<hbm>> -> memref<8192xf32, #tpu.memory_space<hbm>>
          tpu.wait_dma2 semaphore(%run_scoped3A : memref<!tpu.dma_semaphore, #tpu.memory_space<semaphore_mem>>) src(%arg7 : memref<8192xf32, #tpu.memory_space<vmem>>) dst(%dma_wait3A_66 : memref<8192xf32, #tpu.memory_space<hbm>>)
          tpu.yield
        }) : () -> ()
        %iota3A_47 = tpu.iota {dimensions = array<i32: 0>} : vector<16xi32>
        %mul3A_48 = arith.constant 0 : i32
        %mul3A_49 = vector.broadcast %mul3A_48 : i32 to vector<16xi32>
        %mul3A_50 = arith.muli %iota3A_47, %mul3A_49 : vector<16xi32>
        %scan3A_51 = arith.constant 0 : i32
        %scan3A_52 = arith.constant 0 : i32
        %scan3A_53 = arith.constant 512 : i32
        %scan3A_54 = arith.addi %scan3A_52, %scan3A_53 : i32
        %scan3A_55 = arith.constant 1 : i32
        scf.for %scan3A_57 = %scan3A_52 to %scan3A_54 step %scan3A_55  : i32 {
          %mul3A_58 = arith.constant 16 : i32
          %mul3A_59 = arith.muli %scan3A_57, %mul3A_58 : i32
          %add3A_60 = arith.constant 8192 : i32
          %add3A_61 = arith.addi %add3A_60, %mul3A_59 : i32
          %get3A = arith.index_cast %add3A_61 : i32 to index
          %get3A_62 = tpu.vector_load %arg6[%get3A] {strides = array<i32>} : memref<16384xi32, #tpu.memory_space<vmem>>, vector<16xi32>,
          %gather3A = tpu.vector_load_idx %arg5[%mul3A_50, %get3A_62] : memref<1x100010xf32, #tpu.memory_space<vmem>>[vector<16xi32>, vector<16xi32>], vector<16xf32>,
          %mul3A_63 = arith.constant 16 : i32
          %mul3A_64 = arith.muli %scan3A_57, %mul3A_63 : i32
          %swap3A = arith.index_cast %mul3A_64 : i32 to index
          %swap3A_65 = tpu.vector_load %arg7[%swap3A] {strides = array<i32>} : memref<8192xf32, #tpu.memory_space<vmem>>, vector<16xf32>,
          tpu.vector_store %arg7[%swap3A], %gather3A {strides = array<i32>} : memref<8192xf32, #tpu.memory_space<vmem>>, vector<16xf32>,
        }
        %scan3A_56 = arith.constant 512 : i32
        "tpu.region"() ({
          %run_scoped3A = tpu.sem_alloc : memref<!tpu.dma_semaphore, #tpu.memory_space<semaphore_mem>>
          %dma_start3A = arith.constant 8192 : i32
          %dma_start3A_57 = tpu.memref_slice %arg4[%add3A_15, %dma_start3A] : memref<100x16384xf32, #tpu.memory_space<hbm>> -> memref<1x8192xf32, #tpu.memory_space<hbm>>
          %dma_start3A_58 = tpu.memref_squeeze %dma_start3A_57 : memref<1x8192xf32, #tpu.memory_space<hbm>> -> memref<8192xf32, #tpu.memory_space<hbm>>
          %dma_start3A_59 = arith.constant 8192 : i32
          %dma_start3A_60 = tpu.memref_slice %arg4[%add3A_15, %dma_start3A_59] : memref<100x16384xf32, #tpu.memory_space<hbm>> -> memref<1x8192xf32, #tpu.memory_space<hbm>>
          %dma_start3A_61 = tpu.memref_squeeze %dma_start3A_60 : memref<1x8192xf32, #tpu.memory_space<hbm>> -> memref<8192xf32, #tpu.memory_space<hbm>>
          tpu.enqueue_dma source(%arg7 : memref<8192xf32, #tpu.memory_space<vmem>>) target(%dma_start3A_61 : memref<8192xf32, #tpu.memory_space<hbm>>) target_semaphore(%run_scoped3A : memref<!tpu.dma_semaphore, #tpu.memory_space<semaphore_mem>>)
          %dma_wait3A = arith.constant 8192 : i32
          %dma_wait3A_62 = tpu.memref_slice %arg4[%add3A_15, %dma_wait3A] : memref<100x16384xf32, #tpu.memory_space<hbm>> -> memref<1x8192xf32, #tpu.memory_space<hbm>>
          %dma_wait3A_63 = tpu.memref_squeeze %dma_wait3A_62 : memref<1x8192xf32, #tpu.memory_space<hbm>> -> memref<8192xf32, #tpu.memory_space<hbm>>
          %dma_wait3A_64 = arith.constant 8192 : i32
          %dma_wait3A_65 = tpu.memref_slice %arg4[%add3A_15, %dma_wait3A_64] : memref<100x16384xf32, #tpu.memory_space<hbm>> -> memref<1x8192xf32, #tpu.memory_space<hbm>>
          %dma_wait3A_66 = tpu.memref_squeeze %dma_wait3A_65 : memref<1x8192xf32, #tpu.memory_space<hbm>> -> memref<8192xf32, #tpu.memory_space<hbm>>
          tpu.wait_dma2 semaphore(%run_scoped3A : memref<!tpu.dma_semaphore, #tpu.memory_space<semaphore_mem>>) src(%arg7 : memref<8192xf32, #tpu.memory_space<vmem>>) dst(%dma_wait3A_66 : memref<8192xf32, #tpu.memory_space<hbm>>)
          tpu.yield
        }) : () -> ()
      } else {
      }
      %mul3A_21 = arith.constant 4 : i32
      %mul3A_22 = arith.muli %add3A, %mul3A_21 : i32
      %add3A_23 = arith.constant 2 : i32
      %add3A_24 = arith.addi %mul3A_22, %add3A_23 : i32
      %lt3A_25 = arith.constant 100 : i32
      %lt3A_26 = arith.cmpi slt, %add3A_24, %lt3A_25 : i32
      %convert_element_type3A_27 = arith.extui %lt3A_26 : i1 to i32
      %cond3A_28 = arith.constant 0 : i32
      %cond3A_29 = arith.cmpi ne, %convert_element_type3A_27, %cond3A_28 : i32
      scf.if %cond3A_29 {
        "tpu.region"() ({
          %run_scoped3A = tpu.sem_alloc : memref<!tpu.dma_semaphore, #tpu.memory_space<semaphore_mem>>
          %dma_start3A = arith.constant 0 : i32
          %dma_start3A_57 = tpu.memref_slice %arg2[%add3A_24, %dma_start3A] : memref<100x100010xf32, #tpu.memory_space<hbm>> -> memref<1x100010xf32, #tpu.memory_space<hbm>>
          %dma_start3A_58 = arith.constant 0 : i32
          %dma_start3A_59 = tpu.memref_slice %arg2[%add3A_24, %dma_start3A_58] : memref<100x100010xf32, #tpu.memory_space<hbm>> -> memref<1x100010xf32, #tpu.memory_space<hbm>>
          tpu.enqueue_dma source(%dma_start3A_59 : memref<1x100010xf32, #tpu.memory_space<hbm>>) target(%arg5 : memref<1x100010xf32, #tpu.memory_space<vmem>>) target_semaphore(%run_scoped3A : memref<!tpu.dma_semaphore, #tpu.memory_space<semaphore_mem>>)
          %dma_wait3A = arith.constant 0 : i32
          %dma_wait3A_60 = tpu.memref_slice %arg2[%add3A_24, %dma_wait3A] : memref<100x100010xf32, #tpu.memory_space<hbm>> -> memref<1x100010xf32, #tpu.memory_space<hbm>>
          %dma_wait3A_61 = arith.constant 0 : i32
          %dma_wait3A_62 = tpu.memref_slice %arg2[%add3A_24, %dma_wait3A_61] : memref<100x100010xf32, #tpu.memory_space<hbm>> -> memref<1x100010xf32, #tpu.memory_space<hbm>>
          tpu.wait_dma2 semaphore(%run_scoped3A : memref<!tpu.dma_semaphore, #tpu.memory_space<semaphore_mem>>) src(%dma_wait3A_62 : memref<1x100010xf32, #tpu.memory_space<hbm>>) dst(%arg5 : memref<1x100010xf32, #tpu.memory_space<vmem>>)
          tpu.yield
        }) : () -> ()
        %iota3A = tpu.iota {dimensions = array<i32: 0>} : vector<16xi32>
        %mul3A_39 = arith.constant 0 : i32
        %mul3A_40 = vector.broadcast %mul3A_39 : i32 to vector<16xi32>
        %mul3A_41 = arith.muli %iota3A, %mul3A_40 : vector<16xi32>
        %scan3A = arith.constant 0 : i32
        %scan3A_42 = arith.constant 0 : i32
        %scan3A_43 = arith.constant 512 : i32
        %scan3A_44 = arith.addi %scan3A_42, %scan3A_43 : i32
        %scan3A_45 = arith.constant 1 : i32
        scf.for %scan3A_57 = %scan3A_42 to %scan3A_44 step %scan3A_45  : i32 {
          %mul3A_58 = arith.constant 16 : i32
          %mul3A_59 = arith.muli %scan3A_57, %mul3A_58 : i32
          %add3A_60 = arith.constant 0 : i32
          %add3A_61 = arith.addi %add3A_60, %mul3A_59 : i32
          %get3A = arith.index_cast %add3A_61 : i32 to index
          %get3A_62 = tpu.vector_load %arg6[%get3A] {strides = array<i32>} : memref<16384xi32, #tpu.memory_space<vmem>>, vector<16xi32>,
          %gather3A = tpu.vector_load_idx %arg5[%mul3A_41, %get3A_62] : memref<1x100010xf32, #tpu.memory_space<vmem>>[vector<16xi32>, vector<16xi32>], vector<16xf32>,
          %mul3A_63 = arith.constant 16 : i32
          %mul3A_64 = arith.muli %scan3A_57, %mul3A_63 : i32
          %swap3A = arith.index_cast %mul3A_64 : i32 to index
          %swap3A_65 = tpu.vector_load %arg7[%swap3A] {strides = array<i32>} : memref<8192xf32, #tpu.memory_space<vmem>>, vector<16xf32>,
          tpu.vector_store %arg7[%swap3A], %gather3A {strides = array<i32>} : memref<8192xf32, #tpu.memory_space<vmem>>, vector<16xf32>,
        }
        %scan3A_46 = arith.constant 512 : i32
        "tpu.region"() ({
          %run_scoped3A = tpu.sem_alloc : memref<!tpu.dma_semaphore, #tpu.memory_space<semaphore_mem>>
          %dma_start3A = arith.constant 0 : i32
          %dma_start3A_57 = tpu.memref_slice %arg4[%add3A_24, %dma_start3A] : memref<100x16384xf32, #tpu.memory_space<hbm>> -> memref<1x8192xf32, #tpu.memory_space<hbm>>
          %dma_start3A_58 = tpu.memref_squeeze %dma_start3A_57 : memref<1x8192xf32, #tpu.memory_space<hbm>> -> memref<8192xf32, #tpu.memory_space<hbm>>
          %dma_start3A_59 = arith.constant 0 : i32
          %dma_start3A_60 = tpu.memref_slice %arg4[%add3A_24, %dma_start3A_59] : memref<100x16384xf32, #tpu.memory_space<hbm>> -> memref<1x8192xf32, #tpu.memory_space<hbm>>
          %dma_start3A_61 = tpu.memref_squeeze %dma_start3A_60 : memref<1x8192xf32, #tpu.memory_space<hbm>> -> memref<8192xf32, #tpu.memory_space<hbm>>
          tpu.enqueue_dma source(%arg7 : memref<8192xf32, #tpu.memory_space<vmem>>) target(%dma_start3A_61 : memref<8192xf32, #tpu.memory_space<hbm>>) target_semaphore(%run_scoped3A : memref<!tpu.dma_semaphore, #tpu.memory_space<semaphore_mem>>)
          %dma_wait3A = arith.constant 0 : i32
          %dma_wait3A_62 = tpu.memref_slice %arg4[%add3A_24, %dma_wait3A] : memref<100x16384xf32, #tpu.memory_space<hbm>> -> memref<1x8192xf32, #tpu.memory_space<hbm>>
          %dma_wait3A_63 = tpu.memref_squeeze %dma_wait3A_62 : memref<1x8192xf32, #tpu.memory_space<hbm>> -> memref<8192xf32, #tpu.memory_space<hbm>>
          %dma_wait3A_64 = arith.constant 0 : i32
          %dma_wait3A_65 = tpu.memref_slice %arg4[%add3A_24, %dma_wait3A_64] : memref<100x16384xf32, #tpu.memory_space<hbm>> -> memref<1x8192xf32, #tpu.memory_space<hbm>>
          %dma_wait3A_66 = tpu.memref_squeeze %dma_wait3A_65 : memref<1x8192xf32, #tpu.memory_space<hbm>> -> memref<8192xf32, #tpu.memory_space<hbm>>
          tpu.wait_dma2 semaphore(%run_scoped3A : memref<!tpu.dma_semaphore, #tpu.memory_space<semaphore_mem>>) src(%arg7 : memref<8192xf32, #tpu.memory_space<vmem>>) dst(%dma_wait3A_66 : memref<8192xf32, #tpu.memory_space<hbm>>)
          tpu.yield
        }) : () -> ()
        %iota3A_47 = tpu.iota {dimensions = array<i32: 0>} : vector<16xi32>
        %mul3A_48 = arith.constant 0 : i32
        %mul3A_49 = vector.broadcast %mul3A_48 : i32 to vector<16xi32>
        %mul3A_50 = arith.muli %iota3A_47, %mul3A_49 : vector<16xi32>
        %scan3A_51 = arith.constant 0 : i32
        %scan3A_52 = arith.constant 0 : i32
        %scan3A_53 = arith.constant 512 : i32
        %scan3A_54 = arith.addi %scan3A_52, %scan3A_53 : i32
        %scan3A_55 = arith.constant 1 : i32
        scf.for %scan3A_57 = %scan3A_52 to %scan3A_54 step %scan3A_55  : i32 {
          %mul3A_58 = arith.constant 16 : i32
          %mul3A_59 = arith.muli %scan3A_57, %mul3A_58 : i32
          %add3A_60 = arith.constant 8192 : i32
          %add3A_61 = arith.addi %add3A_60, %mul3A_59 : i32
          %get3A = arith.index_cast %add3A_61 : i32 to index
          %get3A_62 = tpu.vector_load %arg6[%get3A] {strides = array<i32>} : memref<16384xi32, #tpu.memory_space<vmem>>, vector<16xi32>,
          %gather3A = tpu.vector_load_idx %arg5[%mul3A_50, %get3A_62] : memref<1x100010xf32, #tpu.memory_space<vmem>>[vector<16xi32>, vector<16xi32>], vector<16xf32>,
          %mul3A_63 = arith.constant 16 : i32
          %mul3A_64 = arith.muli %scan3A_57, %mul3A_63 : i32
          %swap3A = arith.index_cast %mul3A_64 : i32 to index
          %swap3A_65 = tpu.vector_load %arg7[%swap3A] {strides = array<i32>} : memref<8192xf32, #tpu.memory_space<vmem>>, vector<16xf32>,
          tpu.vector_store %arg7[%swap3A], %gather3A {strides = array<i32>} : memref<8192xf32, #tpu.memory_space<vmem>>, vector<16xf32>,
        }
        %scan3A_56 = arith.constant 512 : i32
        "tpu.region"() ({
          %run_scoped3A = tpu.sem_alloc : memref<!tpu.dma_semaphore, #tpu.memory_space<semaphore_mem>>
          %dma_start3A = arith.constant 8192 : i32
          %dma_start3A_57 = tpu.memref_slice %arg4[%add3A_24, %dma_start3A] : memref<100x16384xf32, #tpu.memory_space<hbm>> -> memref<1x8192xf32, #tpu.memory_space<hbm>>
          %dma_start3A_58 = tpu.memref_squeeze %dma_start3A_57 : memref<1x8192xf32, #tpu.memory_space<hbm>> -> memref<8192xf32, #tpu.memory_space<hbm>>
          %dma_start3A_59 = arith.constant 8192 : i32
          %dma_start3A_60 = tpu.memref_slice %arg4[%add3A_24, %dma_start3A_59] : memref<100x16384xf32, #tpu.memory_space<hbm>> -> memref<1x8192xf32, #tpu.memory_space<hbm>>
          %dma_start3A_61 = tpu.memref_squeeze %dma_start3A_60 : memref<1x8192xf32, #tpu.memory_space<hbm>> -> memref<8192xf32, #tpu.memory_space<hbm>>
          tpu.enqueue_dma source(%arg7 : memref<8192xf32, #tpu.memory_space<vmem>>) target(%dma_start3A_61 : memref<8192xf32, #tpu.memory_space<hbm>>) target_semaphore(%run_scoped3A : memref<!tpu.dma_semaphore, #tpu.memory_space<semaphore_mem>>)
          %dma_wait3A = arith.constant 8192 : i32
          %dma_wait3A_62 = tpu.memref_slice %arg4[%add3A_24, %dma_wait3A] : memref<100x16384xf32, #tpu.memory_space<hbm>> -> memref<1x8192xf32, #tpu.memory_space<hbm>>
          %dma_wait3A_63 = tpu.memref_squeeze %dma_wait3A_62 : memref<1x8192xf32, #tpu.memory_space<hbm>> -> memref<8192xf32, #tpu.memory_space<hbm>>
          %dma_wait3A_64 = arith.constant 8192 : i32
          %dma_wait3A_65 = tpu.memref_slice %arg4[%add3A_24, %dma_wait3A_64] : memref<100x16384xf32, #tpu.memory_space<hbm>> -> memref<1x8192xf32, #tpu.memory_space<hbm>>
          %dma_wait3A_66 = tpu.memref_squeeze %dma_wait3A_65 : memref<1x8192xf32, #tpu.memory_space<hbm>> -> memref<8192xf32, #tpu.memory_space<hbm>>
          tpu.wait_dma2 semaphore(%run_scoped3A : memref<!tpu.dma_semaphore, #tpu.memory_space<semaphore_mem>>) src(%arg7 : memref<8192xf32, #tpu.memory_space<vmem>>) dst(%dma_wait3A_66 : memref<8192xf32, #tpu.memory_space<hbm>>)
          tpu.yield
        }) : () -> ()
      } else {
      }
      %mul3A_30 = arith.constant 4 : i32
      %mul3A_31 = arith.muli %add3A, %mul3A_30 : i32
      %add3A_32 = arith.constant 3 : i32
      %add3A_33 = arith.addi %mul3A_31, %add3A_32 : i32
      %lt3A_34 = arith.constant 100 : i32
      %lt3A_35 = arith.cmpi slt, %add3A_33, %lt3A_34 : i32
      %convert_element_type3A_36 = arith.extui %lt3A_35 : i1 to i32
      %cond3A_37 = arith.constant 0 : i32
      %cond3A_38 = arith.cmpi ne, %convert_element_type3A_36, %cond3A_37 : i32
      scf.if %cond3A_38 {
        "tpu.region"() ({
          %run_scoped3A = tpu.sem_alloc : memref<!tpu.dma_semaphore, #tpu.memory_space<semaphore_mem>>
          %dma_start3A = arith.constant 0 : i32
          %dma_start3A_57 = tpu.memref_slice %arg2[%add3A_33, %dma_start3A] : memref<100x100010xf32, #tpu.memory_space<hbm>> -> memref<1x100010xf32, #tpu.memory_space<hbm>>
          %dma_start3A_58 = arith.constant 0 : i32
          %dma_start3A_59 = tpu.memref_slice %arg2[%add3A_33, %dma_start3A_58] : memref<100x100010xf32, #tpu.memory_space<hbm>> -> memref<1x100010xf32, #tpu.memory_space<hbm>>
          tpu.enqueue_dma source(%dma_start3A_59 : memref<1x100010xf32, #tpu.memory_space<hbm>>) target(%arg5 : memref<1x100010xf32, #tpu.memory_space<vmem>>) target_semaphore(%run_scoped3A : memref<!tpu.dma_semaphore, #tpu.memory_space<semaphore_mem>>)
          %dma_wait3A = arith.constant 0 : i32
          %dma_wait3A_60 = tpu.memref_slice %arg2[%add3A_33, %dma_wait3A] : memref<100x100010xf32, #tpu.memory_space<hbm>> -> memref<1x100010xf32, #tpu.memory_space<hbm>>
          %dma_wait3A_61 = arith.constant 0 : i32
          %dma_wait3A_62 = tpu.memref_slice %arg2[%add3A_33, %dma_wait3A_61] : memref<100x100010xf32, #tpu.memory_space<hbm>> -> memref<1x100010xf32, #tpu.memory_space<hbm>>
          tpu.wait_dma2 semaphore(%run_scoped3A : memref<!tpu.dma_semaphore, #tpu.memory_space<semaphore_mem>>) src(%dma_wait3A_62 : memref<1x100010xf32, #tpu.memory_space<hbm>>) dst(%arg5 : memref<1x100010xf32, #tpu.memory_space<vmem>>)
          tpu.yield
        }) : () -> ()
        %iota3A = tpu.iota {dimensions = array<i32: 0>} : vector<16xi32>
        %mul3A_39 = arith.constant 0 : i32
        %mul3A_40 = vector.broadcast %mul3A_39 : i32 to vector<16xi32>
        %mul3A_41 = arith.muli %iota3A, %mul3A_40 : vector<16xi32>
        %scan3A = arith.constant 0 : i32
        %scan3A_42 = arith.constant 0 : i32
        %scan3A_43 = arith.constant 512 : i32
        %scan3A_44 = arith.addi %scan3A_42, %scan3A_43 : i32
        %scan3A_45 = arith.constant 1 : i32
        scf.for %scan3A_57 = %scan3A_42 to %scan3A_44 step %scan3A_45  : i32 {
          %mul3A_58 = arith.constant 16 : i32
          %mul3A_59 = arith.muli %scan3A_57, %mul3A_58 : i32
          %add3A_60 = arith.constant 0 : i32
          %add3A_61 = arith.addi %add3A_60, %mul3A_59 : i32
          %get3A = arith.index_cast %add3A_61 : i32 to index
          %get3A_62 = tpu.vector_load %arg6[%get3A] {strides = array<i32>} : memref<16384xi32, #tpu.memory_space<vmem>>, vector<16xi32>,
          %gather3A = tpu.vector_load_idx %arg5[%mul3A_41, %get3A_62] : memref<1x100010xf32, #tpu.memory_space<vmem>>[vector<16xi32>, vector<16xi32>], vector<16xf32>,
          %mul3A_63 = arith.constant 16 : i32
          %mul3A_64 = arith.muli %scan3A_57, %mul3A_63 : i32
          %swap3A = arith.index_cast %mul3A_64 : i32 to index
          %swap3A_65 = tpu.vector_load %arg7[%swap3A] {strides = array<i32>} : memref<8192xf32, #tpu.memory_space<vmem>>, vector<16xf32>,
          tpu.vector_store %arg7[%swap3A], %gather3A {strides = array<i32>} : memref<8192xf32, #tpu.memory_space<vmem>>, vector<16xf32>,
        }
        %scan3A_46 = arith.constant 512 : i32
        "tpu.region"() ({
          %run_scoped3A = tpu.sem_alloc : memref<!tpu.dma_semaphore, #tpu.memory_space<semaphore_mem>>
          %dma_start3A = arith.constant 0 : i32
          %dma_start3A_57 = tpu.memref_slice %arg4[%add3A_33, %dma_start3A] : memref<100x16384xf32, #tpu.memory_space<hbm>> -> memref<1x8192xf32, #tpu.memory_space<hbm>>
          %dma_start3A_58 = tpu.memref_squeeze %dma_start3A_57 : memref<1x8192xf32, #tpu.memory_space<hbm>> -> memref<8192xf32, #tpu.memory_space<hbm>>
          %dma_start3A_59 = arith.constant 0 : i32
          %dma_start3A_60 = tpu.memref_slice %arg4[%add3A_33, %dma_start3A_59] : memref<100x16384xf32, #tpu.memory_space<hbm>> -> memref<1x8192xf32, #tpu.memory_space<hbm>>
          %dma_start3A_61 = tpu.memref_squeeze %dma_start3A_60 : memref<1x8192xf32, #tpu.memory_space<hbm>> -> memref<8192xf32, #tpu.memory_space<hbm>>
          tpu.enqueue_dma source(%arg7 : memref<8192xf32, #tpu.memory_space<vmem>>) target(%dma_start3A_61 : memref<8192xf32, #tpu.memory_space<hbm>>) target_semaphore(%run_scoped3A : memref<!tpu.dma_semaphore, #tpu.memory_space<semaphore_mem>>)
          %dma_wait3A = arith.constant 0 : i32
          %dma_wait3A_62 = tpu.memref_slice %arg4[%add3A_33, %dma_wait3A] : memref<100x16384xf32, #tpu.memory_space<hbm>> -> memref<1x8192xf32, #tpu.memory_space<hbm>>
          %dma_wait3A_63 = tpu.memref_squeeze %dma_wait3A_62 : memref<1x8192xf32, #tpu.memory_space<hbm>> -> memref<8192xf32, #tpu.memory_space<hbm>>
          %dma_wait3A_64 = arith.constant 0 : i32
          %dma_wait3A_65 = tpu.memref_slice %arg4[%add3A_33, %dma_wait3A_64] : memref<100x16384xf32, #tpu.memory_space<hbm>> -> memref<1x8192xf32, #tpu.memory_space<hbm>>
          %dma_wait3A_66 = tpu.memref_squeeze %dma_wait3A_65 : memref<1x8192xf32, #tpu.memory_space<hbm>> -> memref<8192xf32, #tpu.memory_space<hbm>>
          tpu.wait_dma2 semaphore(%run_scoped3A : memref<!tpu.dma_semaphore, #tpu.memory_space<semaphore_mem>>) src(%arg7 : memref<8192xf32, #tpu.memory_space<vmem>>) dst(%dma_wait3A_66 : memref<8192xf32, #tpu.memory_space<hbm>>)
          tpu.yield
        }) : () -> ()
        %iota3A_47 = tpu.iota {dimensions = array<i32: 0>} : vector<16xi32>
        %mul3A_48 = arith.constant 0 : i32
        %mul3A_49 = vector.broadcast %mul3A_48 : i32 to vector<16xi32>
        %mul3A_50 = arith.muli %iota3A_47, %mul3A_49 : vector<16xi32>
        %scan3A_51 = arith.constant 0 : i32
        %scan3A_52 = arith.constant 0 : i32
        %scan3A_53 = arith.constant 512 : i32
        %scan3A_54 = arith.addi %scan3A_52, %scan3A_53 : i32
        %scan3A_55 = arith.constant 1 : i32
        scf.for %scan3A_57 = %scan3A_52 to %scan3A_54 step %scan3A_55  : i32 {
          %mul3A_58 = arith.constant 16 : i32
          %mul3A_59 = arith.muli %scan3A_57, %mul3A_58 : i32
          %add3A_60 = arith.constant 8192 : i32
          %add3A_61 = arith.addi %add3A_60, %mul3A_59 : i32
          %get3A = arith.index_cast %add3A_61 : i32 to index
          %get3A_62 = tpu.vector_load %arg6[%get3A] {strides = array<i32>} : memref<16384xi32, #tpu.memory_space<vmem>>, vector<16xi32>,
          %gather3A = tpu.vector_load_idx %arg5[%mul3A_50, %get3A_62] : memref<1x100010xf32, #tpu.memory_space<vmem>>[vector<16xi32>, vector<16xi32>], vector<16xf32>,
          %mul3A_63 = arith.constant 16 : i32
          %mul3A_64 = arith.muli %scan3A_57, %mul3A_63 : i32
          %swap3A = arith.index_cast %mul3A_64 : i32 to index
          %swap3A_65 = tpu.vector_load %arg7[%swap3A] {strides = array<i32>} : memref<8192xf32, #tpu.memory_space<vmem>>, vector<16xf32>,
          tpu.vector_store %arg7[%swap3A], %gather3A {strides = array<i32>} : memref<8192xf32, #tpu.memory_space<vmem>>, vector<16xf32>,
        }
        %scan3A_56 = arith.constant 512 : i32
        "tpu.region"() ({
          %run_scoped3A = tpu.sem_alloc : memref<!tpu.dma_semaphore, #tpu.memory_space<semaphore_mem>>
          %dma_start3A = arith.constant 8192 : i32
          %dma_start3A_57 = tpu.memref_slice %arg4[%add3A_33, %dma_start3A] : memref<100x16384xf32, #tpu.memory_space<hbm>> -> memref<1x8192xf32, #tpu.memory_space<hbm>>
          %dma_start3A_58 = tpu.memref_squeeze %dma_start3A_57 : memref<1x8192xf32, #tpu.memory_space<hbm>> -> memref<8192xf32, #tpu.memory_space<hbm>>
          %dma_start3A_59 = arith.constant 8192 : i32
          %dma_start3A_60 = tpu.memref_slice %arg4[%add3A_33, %dma_start3A_59] : memref<100x16384xf32, #tpu.memory_space<hbm>> -> memref<1x8192xf32, #tpu.memory_space<hbm>>
          %dma_start3A_61 = tpu.memref_squeeze %dma_start3A_60 : memref<1x8192xf32, #tpu.memory_space<hbm>> -> memref<8192xf32, #tpu.memory_space<hbm>>
          tpu.enqueue_dma source(%arg7 : memref<8192xf32, #tpu.memory_space<vmem>>) target(%dma_start3A_61 : memref<8192xf32, #tpu.memory_space<hbm>>) target_semaphore(%run_scoped3A : memref<!tpu.dma_semaphore, #tpu.memory_space<semaphore_mem>>)
          %dma_wait3A = arith.constant 8192 : i32
          %dma_wait3A_62 = tpu.memref_slice %arg4[%add3A_33, %dma_wait3A] : memref<100x16384xf32, #tpu.memory_space<hbm>> -> memref<1x8192xf32, #tpu.memory_space<hbm>>
          %dma_wait3A_63 = tpu.memref_squeeze %dma_wait3A_62 : memref<1x8192xf32, #tpu.memory_space<hbm>> -> memref<8192xf32, #tpu.memory_space<hbm>>
          %dma_wait3A_64 = arith.constant 8192 : i32
          %dma_wait3A_65 = tpu.memref_slice %arg4[%add3A_33, %dma_wait3A_64] : memref<100x16384xf32, #tpu.memory_space<hbm>> -> memref<1x8192xf32, #tpu.memory_space<hbm>>
          %dma_wait3A_66 = tpu.memref_squeeze %dma_wait3A_65 : memref<1x8192xf32, #tpu.memory_space<hbm>> -> memref<8192xf32, #tpu.memory_space<hbm>>
          tpu.wait_dma2 semaphore(%run_scoped3A : memref<!tpu.dma_semaphore, #tpu.memory_space<semaphore_mem>>) src(%arg7 : memref<8192xf32, #tpu.memory_space<vmem>>) dst(%dma_wait3A_66 : memref<8192xf32, #tpu.memory_space<hbm>>)
          tpu.yield
        }) : () -> ()
      } else {
      }
    } else {
    }
    return
  }
}

module attributes {stable_mosaic.version = 14 : i64} {
  func.func @_mlp_t_body(%arg0: i32, %arg1: memref<100x2048xf32, #tpu.memory_space<vmem>>, %arg2: memref<100x100xf32, #tpu.memory_space<vmem>>, %arg3: memref<100x1xf32, #tpu.memory_space<vmem>>, %arg4: memref<100x100xf32, #tpu.memory_space<vmem>>, %arg5: memref<100x1xf32, #tpu.memory_space<vmem>>, %arg6: memref<100x1xf32, #tpu.memory_space<vmem>>, %arg7: memref<1x1xf32, #tpu.memory_space<vmem>>, %arg8: memref<1x2048xf32, #tpu.memory_space<vmem>>) attributes {dimension_semantics = [#tpu.dimension_semantics<arbitrary>], iteration_bounds = array<i64: 8>, scalar_prefetch = 0 : i64, scratch_operands = 0 : i64, tpu.core_type = #tpu.core_type<tc>, window_params = [{transform_indices = @transform_0, window_bounds = array<i64: 100, 2048>}, {pipeline_mode = #tpu.pipeline_mode<synchronous>, transform_indices = @transform_1, window_bounds = array<i64: 100, 100>}, {pipeline_mode = #tpu.pipeline_mode<synchronous>, transform_indices = @transform_2, window_bounds = array<i64: 100, 1>}, {pipeline_mode = #tpu.pipeline_mode<synchronous>, transform_indices = @transform_3, window_bounds = array<i64: 100, 100>}, {pipeline_mode = #tpu.pipeline_mode<synchronous>, transform_indices = @transform_4, window_bounds = array<i64: 100, 1>}, {pipeline_mode = #tpu.pipeline_mode<synchronous>, transform_indices = @transform_5, window_bounds = array<i64: 100, 1>}, {pipeline_mode = #tpu.pipeline_mode<synchronous>, transform_indices = @transform_6, window_bounds = array<i64: 1, 1>}, {transform_indices = @transform_7, window_bounds = array<i64: 1, 2048>}]} {
    %get3A = arith.constant 0 : index
    %get3A_0 = arith.constant 0 : index
    %get3A_1 = vector.load %arg1[%get3A, %get3A_0] : memref<100x2048xf32, #tpu.memory_space<vmem>>, vector<100x2048xf32>
    %get3A_2 = arith.constant 0 : index
    %get3A_3 = arith.constant 0 : index
    %get3A_4 = vector.load %arg2[%get3A_2, %get3A_3] : memref<100x100xf32, #tpu.memory_space<vmem>>, vector<100x100xf32>
    %dot_general3A = arith.constant dense<0.000000e+00> : vector<100x2048xf32>
    %dot_general3A_5 = tpu.matmul %get3A_4, %get3A_1, %dot_general3A {dimension_numbers = #tpu.dot_dimension_numbers<[0], [0], [1], [1], [0, 1, 1, 1], [], []>, transpose_lhs_hint = false} : vector<100x100xf32>, vector<100x2048xf32>, vector<100x2048xf32> -> vector<100x2048xf32>
    %get3A_6 = arith.constant 0 : index
    %get3A_7 = arith.constant 0 : index
    %get3A_8 = vector.load %arg3[%get3A_6, %get3A_7] : memref<100x1xf32, #tpu.memory_space<vmem>>, vector<100x1xf32>
    %add3A = vector.broadcast %get3A_8 : vector<100x1xf32> to vector<100x2048xf32>
    %add3A_9 = arith.addf %dot_general3A_5, %add3A : vector<100x2048xf32>
    %gt3A = arith.constant 0.000000e+00 : f32
    %gt3A_10 = vector.broadcast %gt3A : f32 to vector<100x2048xf32>
    %gt3A_11 = arith.cmpf ogt, %add3A_9, %gt3A_10 : vector<100x2048xf32>
    %exp3A = math.exp %add3A_9 : vector<100x2048xf32>
    %sub3A = arith.constant 1.000000e+00 : f32
    %sub3A_12 = vector.broadcast %sub3A : f32 to vector<100x2048xf32>
    %sub3A_13 = arith.subf %exp3A, %sub3A_12 : vector<100x2048xf32>
    %mul3A = arith.constant 1.67326319 : f32
    %mul3A_14 = vector.broadcast %mul3A : f32 to vector<100x2048xf32>
    %mul3A_15 = arith.mulf %mul3A_14, %sub3A_13 : vector<100x2048xf32>
    %select_n3A = arith.select %gt3A_11, %add3A_9, %mul3A_15 : vector<100x2048xi1>, vector<100x2048xf32>
    %mul3A_16 = arith.constant 1.05070102 : f32
    %mul3A_17 = vector.broadcast %mul3A_16 : f32 to vector<100x2048xf32>
    %mul3A_18 = arith.mulf %mul3A_17, %select_n3A : vector<100x2048xf32>
    %get3A_19 = arith.constant 0 : index
    %get3A_20 = arith.constant 0 : index
    %get3A_21 = vector.load %arg4[%get3A_19, %get3A_20] : memref<100x100xf32, #tpu.memory_space<vmem>>, vector<100x100xf32>
    %dot_general3A_22 = arith.constant dense<0.000000e+00> : vector<100x2048xf32>
    %dot_general3A_23 = tpu.matmul %get3A_21, %mul3A_18, %dot_general3A_22 {dimension_numbers = #tpu.dot_dimension_numbers<[0], [0], [1], [1], [0, 1, 1, 1], [], []>, transpose_lhs_hint = false} : vector<100x100xf32>, vector<100x2048xf32>, vector<100x2048xf32> -> vector<100x2048xf32>
    %get3A_24 = arith.constant 0 : index
    %get3A_25 = arith.constant 0 : index
    %get3A_26 = vector.load %arg5[%get3A_24, %get3A_25] : memref<100x1xf32, #tpu.memory_space<vmem>>, vector<100x1xf32>
    %add3A_27 = vector.broadcast %get3A_26 : vector<100x1xf32> to vector<100x2048xf32>
    %add3A_28 = arith.addf %dot_general3A_23, %add3A_27 : vector<100x2048xf32>
    %tanh3A = math.tanh %add3A_28 : vector<100x2048xf32>
    %get3A_29 = arith.constant 0 : index
    %get3A_30 = arith.constant 0 : index
    %get3A_31 = vector.load %arg6[%get3A_29, %get3A_30] : memref<100x1xf32, #tpu.memory_space<vmem>>, vector<100x1xf32>
    %dot_general3A_32 = arith.constant dense<0.000000e+00> : vector<1x2048xf32>
    %dot_general3A_33 = tpu.matmul %get3A_31, %tanh3A, %dot_general3A_32 {dimension_numbers = #tpu.dot_dimension_numbers<[0], [0], [1], [1], [0, 1, 1, 1], [], []>, transpose_lhs_hint = false} : vector<100x1xf32>, vector<100x2048xf32>, vector<1x2048xf32> -> vector<1x2048xf32>
    %get3A_34 = arith.constant 0 : index
    %get3A_35 = arith.constant 0 : index
    %get3A_36 = vector.load %arg7[%get3A_34, %get3A_35] : memref<1x1xf32, #tpu.memory_space<vmem>>, vector<1x1xf32>
    %add3A_37 = vector.broadcast %get3A_36 : vector<1x1xf32> to vector<1x2048xf32>
    %add3A_38 = arith.addf %dot_general3A_33, %add3A_37 : vector<1x2048xf32>
    %swap3A = arith.constant 0 : index
    %swap3A_39 = arith.constant 0 : index
    %swap3A_40 = vector.load %arg8[%swap3A, %swap3A_39] : memref<1x2048xf32, #tpu.memory_space<vmem>>, vector<1x2048xf32>
    tpu.vector_store %arg8[%swap3A, %swap3A_39], %add3A_38 {strides = array<i32>} : memref<1x2048xf32, #tpu.memory_space<vmem>>, vector<1x2048xf32>,
    return
  }
  func.func @transform_0(%arg0: i32) -> (i32, i32) {
    %c0_i32 = arith.constant 0 : i32
    %c0_i32_0 = arith.constant 0 : i32
    return %c0_i32, %arg0 : i32, i32
  }
  func.func @transform_1(%arg0: i32) -> (i32, i32) {
    %c0_i32 = arith.constant 0 : i32
    %c0_i32_0 = arith.constant 0 : i32
    %c0_i32_1 = arith.constant 0 : i32
    return %c0_i32, %c0_i32_0 : i32, i32
  }
  func.func @transform_2(%arg0: i32) -> (i32, i32) {
    %c0_i32 = arith.constant 0 : i32
    %c0_i32_0 = arith.constant 0 : i32
    %c0_i32_1 = arith.constant 0 : i32
    return %c0_i32, %c0_i32_0 : i32, i32
  }
  func.func @transform_3(%arg0: i32) -> (i32, i32) {
    %c0_i32 = arith.constant 0 : i32
    %c0_i32_0 = arith.constant 0 : i32
    %c0_i32_1 = arith.constant 0 : i32
    return %c0_i32, %c0_i32_0 : i32, i32
  }
  func.func @transform_4(%arg0: i32) -> (i32, i32) {
    %c0_i32 = arith.constant 0 : i32
    %c0_i32_0 = arith.constant 0 : i32
    %c0_i32_1 = arith.constant 0 : i32
    return %c0_i32, %c0_i32_0 : i32, i32
  }
  func.func @transform_5(%arg0: i32) -> (i32, i32) {
    %c0_i32 = arith.constant 0 : i32
    %c0_i32_0 = arith.constant 0 : i32
    %c0_i32_1 = arith.constant 0 : i32
    return %c0_i32, %c0_i32_0 : i32, i32
  }
  func.func @transform_6(%arg0: i32) -> (i32, i32) {
    %c0_i32 = arith.constant 0 : i32
    %c0_i32_0 = arith.constant 0 : i32
    %c0_i32_1 = arith.constant 0 : i32
    return %c0_i32, %c0_i32_0 : i32, i32
  }
  func.func @transform_7(%arg0: i32) -> (i32, i32) {
    %c0_i32 = arith.constant 0 : i32
    %c0_i32_0 = arith.constant 0 : i32
    return %c0_i32, %arg0 : i32, i32
  }
}

</mosaic_0001>

<sc_bundles>
// kernel: kernel.4.cloned.1.call-start
scs
__scs_entry_jumppad:
0x0: {  	(pc) =	sbr.rel $0x88, $3  }
0x1: {  	(tag) =	ssettag $0x0;
	lr =	simm.s32 $0x1  }
0x2: {  	[smem:$0x3F99] =	sst lr;
	_ =	strace $0xD0000000  }
0x3: {  	_ = 	snop  }
0x4: {  	_ = 	snop  }
0x5: {  	_ = 	snop  }
0x6: {  	_ = 	snop  }
0x7: {  	_ = 	snop  }
__scs_overlays_trampoline_lowered:
0x8: {  	[smem:$0x3FA8] =	sst s0  }
0x9: {  	[smem:$0x3FA9] =	sst s1  }
0xa: {  	[smem:$0x3FAA] =	sst s2  }
0xb: {  	[smem:$0x3FAB] =	sst s3  }
0xc: {  	[smem:$0x3FAC] =	sst s4  }
0xd: {  	[smem:$0x3FAD] =	sst s5  }
0xe: {  	[smem:$0x3FAE] =	sst s6  }
0xf: {  	[smem:$0x3FAF] =	sst s7  }
0x10: {  	[smem:$0x3FB0] =	sst s8  }
0x11: {  	[smem:$0x3FB1] =	sst s9;
	s0 =	simm.s32 @!p0 $0x0  }
0x12: {  	s1 =	sld [smem:$0x3F97];
	s0 =	simm.s32 @p0 $0x1  }
0x13: {  	[smem:$0x3FB2] =	sst s0;
	s0 =	simm.s32 @!p1 $0x0  }
0x14: {  	s2 =	sld [smem:$0x3F96];
	s0 =	simm.s32 @p1 $0x1  }
0x15: {  	[smem:$0x3FB3] =	sst s0;
	s0 =	simm.s32 @!p2 $0x0  }
0x16: {  	s3 =	sld [smem:$0x3FDB];
	s0 =	simm.s32 @p2 $0x1  }
0x17: {  	s4 =	simm.s32 $0x1BF5;
	[smem:$0x3FB5] =	sst s0  }
0x18: {  	s0 =	sld [smem:$0x3F98];
	_ =	swait.ge [sflag:s4], $0x0  }
0x19: {  	s7 =	sld [smem:$0x3F99]  }
0x1a: {  	s8 =	sadd.s32 $0xFFFFE003, lr  }
0x1b: {  	s9 =	sadd.s32 $0xFFFFFEF7, lr;
	s5 =	simm.s32 $0xFFFFFFFF;
	p2 =	slt.u32 s8, $0xFFFFF086  }
0x1c: {  	p1 =	slt.u32 s9, $0xF7A;
	s5 =	simm.s32 @!p2 $0x0  }
0x1d: {  	s5 =	simm.s32 @p1 $0x1;
	p0 =	seq.s32 s7, s2  }
0x1e: {  	s7 =	smul.u32 @!p0 $0xF7A, s2;
	p2 =	seq.s32 @!p0 s5, $0x0  }
0x1f: {  	s9 =	smul.u32 $0xF7A, s1;
	s8 =	simm.s32 @!p0 $0x1BF5;
	p2 =	por !p2, p0  }
0x20: {  	[sflag:s8] =	ssyncset.s32 @!p0 $0xFFFFF086;
	s6 =	sadd.s32 @!p0 s3, s7;
	s7 =	simm.s32 @!p0 $0x108  }
0x21: {  	s3 =	sadd.s32 s3, s9;
	s6 =	sadd.s32 @!p0 $0x88, s6;
	s7 =	simm.s32 @p2 $0x1082  }
0x22: {  	[simem:s7], [sflag:s8] =	dma.local @!p0 [hbm:s6], $0xF7A  }
0x23: {  	s9 =	sor.u32 $0xD0000000, s2;
	s6 =	simm.s32 $0x108;
	_ =	swait.ge @!p0 [sflag:s8], $0x0  }
0x24: {  	s3 =	sadd.s32 $0x88, s3;
	s6 =	simm.s32 @!p1 $0x1082;
	[sflag:s4] =	ssyncset.s32 $0xFFFFF086  }
0x25: {  	[simem:s6], [sflag:s4] =	dma.local [hbm:s3], $0xF7A  }
0x26: {  	[smem:$0x3F99] =	sst s1;
	(tag) =	ssettag s2;
	_ =	strace s9  }
0x27: {  	s1 =	sld [smem:$0x3FA9]  }
0x28: {  	s2 =	sld [smem:$0x3FAA]  }
0x29: {  	s4 =	sld [smem:$0x3FAC]  }
0x2a: {  	p0 =	seq.s32 s5, $0x0;
	s5 =	sld [smem:$0x3FAD]  }
0x2b: {  	s6 =	sld [smem:$0x3FAE]  }
0x2c: {  	s7 =	sld [smem:$0x3FAF]  }
0x2d: {  	s3 =	simm.s32 $0x108;
	s8 =	sld [smem:$0x3FB0]  }
0x2e: {  	s3 =	simm.s32 @!p0 $0x1082;
	s9 =	sld [smem:$0x3FB1]  }
0x2f: {  	lr =	sadd.s32 s0, s3;
	s0 =	sld [smem:$0x3FA8]  }
0x30: {  	s3 =	sld [smem:$0x3FAB]  }
0x31: {  	[smem:$0x3FB4] =	sst s10  }
0x32: {  	s10 =	sld [smem:$0x3FB2];
	_ =	sdelay $0x3  }
0x33: {  	p0 =	seq.s32 s10, $0x1;
	s10 =	sld [smem:$0x3FB4];
	_ =	sdelay $0x3  }
0x34: {  	[smem:$0x3FB4] =	sst s10  }
0x35: {  	s10 =	sld [smem:$0x3FB3];
	_ =	sdelay $0x3  }
0x36: {  	p1 =	seq.s32 s10, $0x1;
	s10 =	sld [smem:$0x3FB4];
	_ =	sdelay $0x3  }
0x37: {  	[smem:$0x3FB4] =	sst s10  }
0x38: {  	s10 =	sld [smem:$0x3FB5]  }
0x39: {  	_ = 	snop;
	(pc) =	sbr.ind lr, $3  }
0x3a: {  	_ = 	snop  }
0x3b: {  	_ = 	snop  }
0x3c: {  	p2 =	seq.s32 s10, $0x1;
	s10 =	sld [smem:$0x3FB4]  }
0x3d: {  	_ =	shalt  }
0x3e: {  	_ =	shalt  }
0x3f: {  	_ =	shalt  }
0x40: {  	_ =	shalt  }
0x41: {  	_ =	shalt  }
0x42: {  	_ =	shalt  }
0x43: {  	_ =	shalt  }
0x44: {  	_ =	shalt  }
0x45: {  	_ =	shalt  }
0x46: {  	_ =	shalt  }
0x47: {  	_ =	shalt  }
0x48: {  	_ =	shalt  }
0x49: {  	_ =	shalt  }
0x4a: {  	_ =	shalt  }
0x4b: {  	_ =	shalt  }
0x4c: {  	_ =	shalt  }
0x4d: {  	_ =	shalt  }
0x4e: {  	_ =	shalt  }
0x4f: {  	_ =	shalt  }
0x50: {  	_ =	shalt  }
0x51: {  	_ =	shalt  }
0x52: {  	_ =	shalt  }
0x53: {  	_ =	shalt  }
0x54: {  	_ =	shalt  }
0x55: {  	_ =	shalt  }
0x56: {  	_ =	shalt  }
0x57: {  	_ =	shalt  }
0x58: {  	_ =	shalt  }
0x59: {  	_ =	shalt  }
0x5a: {  	_ =	shalt  }
0x5b: {  	_ =	shalt  }
0x5c: {  	_ =	shalt  }
0x5d: {  	_ =	shalt  }
0x5e: {  	_ =	shalt  }
0x5f: {  	_ =	shalt  }
0x60: {  	_ =	shalt  }
0x61: {  	_ =	shalt  }
0x62: {  	_ =	shalt  }
0x63: {  	_ =	shalt  }
0x64: {  	_ =	shalt  }
0x65: {  	_ =	shalt  }
0x66: {  	_ =	shalt  }
0x67: {  	_ =	shalt  }
0x68: {  	_ =	shalt  }
0x69: {  	_ =	shalt  }
0x6a: {  	_ =	shalt  }
0x6b: {  	_ =	shalt  }
0x6c: {  	_ =	shalt  }
0x6d: {  	_ =	shalt  }
0x6e: {  	_ =	shalt  }
0x6f: {  	_ =	shalt  }
0x70: {  	_ =	shalt  }
0x71: {  	_ =	shalt  }
0x72: {  	_ =	shalt  }
0x73: {  	_ =	shalt  }
0x74: {  	_ =	shalt  }
0x75: {  	_ =	shalt  }
0x76: {  	_ =	shalt  }
0x77: {  	_ =	shalt  }
0x78: {  	_ =	shalt  }
0x79: {  	_ =	shalt  }
0x7a: {  	_ =	shalt  }
0x7b: {  	_ =	shalt  }
0x7c: {  	_ =	shalt  }
0x7d: {  	_ =	shalt  }
0x7e: {  	_ =	shalt  }
0x7f: {  	_ =	shalt  }
0x80: {  	_ =	shalt  }
0x81: {  	_ =	shalt  }
0x82: {  	_ =	shalt  }
0x83: {  	_ =	shalt  }
0x84: {  	_ =	shalt  }
0x85: {  	_ =	shalt  }
0x86: {  	_ =	shalt  }
0x87: {  	_ =	shalt  }
.Lfunc_end0:
.L_simem_size_0:
called_computation_lowered:
.L_overlay_start_0:
0x88: {  	s2 =	sld [smem:$0x3FD9]  }
0x89: {  	s3 =	sld [smem:$0x3FFE];
	_ =	sdelay $0x1  }
0x8a: {  	s1 =	srdreg.scid  }
0x8b: {  	s0 =	sand.u32 $0x1, s1  }
0x8c: {  	s17 =	sshll.u32 s0, $0xA;
	s2 =	sadd.s32 s3, s2  }
0x8d: {  	s2 =	sadd.s32 s2, s17  }
0x8e: {  	[smem:$0x3FC0] =	sst s2  }
0x8f: {  	_ = 	snop  }
0x90: {  	s2 =	sld [smem:$0x3FC9]  }
0x91: {  	s18 =	sld [smem:$0x3FC8];
	(tm) =	ssettm $0x1  }
0x92: {  	s4 =	sld [smem:$0x3FFB];
	_ =	sdelay $0x3  }
0x93: {  	_ =	strace s4  }
0x94: {  	s4 =	sld [smem:$0x3FFC];
	_ =	sdelay $0x3  }
0x95: {  	_ =	strace s4  }
0x96: {  	s4 =	sld [smem:$0x3FFD];
	_ =	sdelay $0x3  }
0x97: {  	_ =	strace s4  }
0x98: {  	_ =	strace $0x8FFFFFFF  }
0x99: {  	s19 =	sld [smem:$0x3FDB];
	_ =	sdelay $0x1  }
0x9a: {  	s5 =	simm.s32 $_scs_section_size  }
0x9b: {  	s6 =	simm.s32 $_size__tile_overlayer_lowered;
	s7 =	simm.s32 $_tile_overlayer_lowered  }
0x9c: {  	s22 =	simm.s32 $0x1BFF;
	s21 =	sshll.u32 s7, $0x1;
	s4 =	sadd.s32 s5, s19  }
0x9d: {  	s8 =	simm.s32 $0x0;
	s20 =	sshll.u32 s6, $0x1;
	s6 =	sadd.s32 s21, s4  }
0x9e: {  	[timem:s8], [sflag:s22] =	dma.local [hbm:s6], s20  }
0x9f: {  	_ =	swait.ge [sflag:s22], s20  }
0xa0: {  	s5 =	ssub.s32 $0x0, s20;
	[sflag:s22] =	ssyncset.done $0x0  }
0xa1: {  	[sflag:s22] =	ssyncadd.s32 s5;
	_ =	sdelay $0x1  }
0xa2: {  	s23 =	simm.s32 $0x1B8B  }
0xa3: {  	_ =	swait.ge [sflag:s23], $0x1  }
0xa4: {  	[sflag:s23] =	ssyncset.done $0x0  }
0xa5: {  	s25 =	simm.s32 $0x1B8E;
	s24 =	sld [smem:$0x3FFE];
	[sflag:s23] =	ssyncadd.s32 $0xFFFFFFFF  }
0xa6: {  	s26 =	simm.s32 $execute0_lowered;
	[smem:$0x3FD2] =	sst s25  }
0xa7: {  	s6 =	sshll.u32 s26, $0x1;
	_ =	strace $0x80000046;
	[dreg:$0x1] =	wrdreg $0xFFFFFFFF  }
0xa8: {  	s28 =	simm.s32 $_size_execute0_lowered;
	s4 =	sadd.s32 s4, s6;
	[dreg:$0x0] =	wrdreg $0x0  }
0xa9: {  	s6 =	sshll.u32 s28, $0x1;
	[dreg:$0x2] =	wrdreg s4  }
0xaa: {  	[dreg:$0x3] =	wrdreg s6  }
0xab: {  	[dreg:$0x4] =	wrdreg $0xC0  }
0xac: {  	_ =	task [dreg:s8], $0x5FFFF  }
0xad: {  	[dreg:$0x1] =	wrdreg $0xFFFFFFFF  }
0xae: {  	[dreg:$0x0] =	wrdreg $0x60  }
0xaf: {  	[dreg:$0x2] =	wrdreg s18  }
0xb0: {  	[dreg:$0x3] =	wrdreg s2  }
0xb1: {  	[dreg:$0x4] =	wrdreg s24  }
0xb2: {  	[dreg:$0x5] =	wrdreg $0x9  }
0xb3: {  	_ =	task.clear_ibuf [dreg:s8], $0x6FFFF;
	_ =	strace $0x90000046  }
0xb4: {  	s29 =	simm.s32 $0x9;
	_ =	strace $0x80000048  }
0xb5: {  	_ =	swait.ge [sflag:s29], $0x1  }
0xb6: {  	[sflag:s29] =	ssyncadd.s32 $0xFFFFFFFF  }
0xb7: {  	_ =	strace $0x90000048  }
0xb8: {  	_ =	sfence  }
0xb9: {  	s30 =	sld [smem:$0x0];
	_ =	sdelay $0x2  }
0xba: {  	s31 =	sshll.u32 s1, $0xD;
	s1 =	sshrl.u32 s1, $0x2  }
0xbb: {  	s3 =	sand.u32 $0x4000, s31;
	s1 =	sadd.s32 s1, s30  }
0xbc: {  	s0 =	sor.u32 s3, s0;
	s1 =	sshll.u32 s1, $0x11  }
0xbd: {  	s0 =	sor.u32 s1, s0  }
0xbe: {  	s0 =	sadd.s32 $0x8F2B, s0  }
0xbf: {  	[sflag:s0] =	ssyncadd.remote.s32 $0x1  }
0xc0: {  	_ =	sfence.sel $0xFFFF  }
0xc1: {  	[dreg:$0x0] =	wrdreg $0xFFFFFFFF;
	(pc) =	sbr.abs _section_cstart, $3  }
0xc2: {  	[dreg:$0x1] =	wrdreg $0xFFFFFFFF  }
0xc3: {  	_ =	task.clear_ibuf [dreg:s8], $0x2FFFF;
	_ =	strace $0x9FFFFFFF  }
0xc4: {  	(tm) =	ssettm $0x7FFFFFFF  }
0xc5: {  	_ =	shalt  }
tec
execute0_lowered:
.L_overlay_start_1:
0x0: {  	(tag) =	ssettag $0x1  }
0x1: {  	s13 =	rddreg [dreg:$0x0]  }
0x2: {  	s1 =	rddreg [dreg:$0x1]  }
0x3: {  	s5 =	rddreg [dreg:$0x2]  }
0x4: {  	s0 =	rddreg [dreg:$0x3];
	s4 =	srdreg.scid;
	s3 =	simm.s32 $0x0  }
0x5: {  	s2 =	stileid.u32;
	s22 =	simm.s32 $0x0;
	s4 =	sand.u32 $0x1, s4  }
0x6: {  	[smem:$0x7FF] =	sst s3;
	s11 =	smul.u32 $0xC3800, s2;
	s14 =	sadd.s32 $0x1000, s5  }
0x7: {  	s15 =	sshll.u32 s2, $0x11;
	s18 =	sshll.u32 s2, $0x1;
	s19 =	sadd.s32 $0x3000, s5  }
0x8: {  	s6 =	ssub.s32 $0x2, s4;
	_ =	strace $0x80000047;
	s12 =	sshll.u32 s4, $0x9  }
0x9: {  	s17 =	sxor.u32 $0x19, s4;
	s7 =	sshrl.u32 s6, $0x1;
	s25 =	sor.u32 s12, s11  }
0xa: {  	s28 =	sor.u32 s12, s15;
	s29 =	sor.u32 $0x80, s12;
	s20 =	sor.u32 $0x100, s12  }
0xb: {  	s12 =	sor.u32 $0x180, s12;
	p0 =	sge.u32 s18, s17;
	s17 =	simm.s32 $0x18700  }
0xc: {  	s18 =	simm.s32 $0x1;
	s16 =	ssub.s32 s6, s7;
	s26 =	sshrl.u32 s25, $0x3  }
0xd: {  	s6 =	sshrl.u32 s28, $0x3;
	s8 =	sor.u32 s11, s29;
	s9 =	sor.u32 s15, s29  }
0xe: {  	s10 =	sor.u32 s11, s20;
	s20 =	sor.u32 s15, s20;
	s21 =	sor.u32 s11, s12  }
0xf: {  	s12 =	sor.u32 s15, s12;
	s4 =	sadd.s32 s13, s26;
	s5 =	sadd.s32 s14, s6  }
0x10: {  	s6 =	sadd.s32 s6, s19;
	s8 =	sshrl.u32 s8, $0x3;
	s9 =	sshrl.u32 s9, $0x3  }
0x11: {  	s10 =	sshrl.u32 s10, $0x3;
	s20 =	sshrl.u32 s20, $0x3;
	s30 =	sshrl.u32 s21, $0x3  }
.Ltmp0:
0x12: {  	s31 =	sshrl.u32 s12, $0x3;
	s16 =	smax.u32 s16, $0x1;
	(pc) =	sbr.rel .LBB2_1-.Ltmp0, $4  }
0x13: {  	s21 =	simm.s32 $0x1C700;
	s7 =	sadd.s32 s13, s8;
	s8 =	sadd.s32 s14, s9  }
0x14: {  	s9 =	sadd.s32 s9, s19;
	s10 =	sadd.s32 s13, s10;
	s11 =	sadd.s32 s14, s20  }
0x15: {  	s12 =	sadd.s32 s20, s19;
	s13 =	sadd.s32 s13, s30;
	s14 =	sadd.s32 s14, s31  }
0x16: {  	s15 =	sadd.s32 s31, s19;
	s19 =	simm.s32 $0x80;
	s20 =	simm.s32 $0x400  }
.LBB2_18:
0x17: {  	v0 =	vld [tilespmem:s25+$0x1A700];
	_ =	sdelay $0x7  }
0x18: {  	v0 =	vld.idx.msk [tilespmem:v0+s3+$0x0], $0xffff;
	_ =	sdelay $0x3  }
0x19: {  	s23 =	sadd.s32 $0x10, s23  }
0x1a: {  	[tilespmem:s23+$0x0] =	vst v0  }
0x1b: {  	[hbm4b:s15+s19] =	stream.strided.scatter [tilespmem:s21], [sflag:$0x1], $0x2000, s20, s19, $0x38;
	[tilespmem:$0x1E700] =	vst v63  }
0x1c: {  	_ =	swait.ge [sflag:s18], $0x2000  }
0x1d: {  	[sflag:s18] =	ssyncset.done $0x0  }
0x1e: {  	[sflag:s18] =	ssyncadd.s32 $0xFFFFE000  }
.LBB2_19:
0x1f: {  	s22 =	sadd.s32 $0x1, s22  }
0x20: {  	p1 =	sne.s32 s22, s16  }
.Ltmp1:
0x21: {  	_ = 	snop;
	(pc) =	sbr.rel @!p1 .LBB2_20-.Ltmp1, $1  }
0x22: {  	_ =	sdelay $0x3  }
.LBB2_1:
.Ltmp2:
0x23: {  	(pc) =	sbr.rel @p0 .LBB2_19-.Ltmp2, $4  }
0x24: {  	[tilespmem:s17], [sflag:$0x1] =	stream.linear.gather [hbm4b:s1+s3], $0x4000, $0x38;
	[tilespmem:$0x1E700] =	vst v63  }
0x25: {  	_ =	swait.ge [sflag:s18], $0x4000  }
0x26: {  	[sflag:s18] =	ssyncset.done $0x0  }
0x27: {  	[sflag:s18] =	ssyncadd.s32 $0xFFFFC000  }
0x28: {  	s23 =	simm.s32 $0x0  }
0x29: {  	[tilespmem:s23], [sflag:$0x1] =	stream.strided.gather [hbm4b:s4+s19], $0x18700, s20, s19, $0x38;
	[tilespmem:$0x1E700] =	vst v63  }
0x2a: {  	_ =	swait.ge [sflag:s18], $0x18700  }
0x2b: {  	[sflag:s18] =	ssyncset.done $0x0  }
0x2c: {  	s23 =	simm.s32 $0x0;
	[sflag:s18] =	ssyncadd.s32 $0xFFFE7900  }
0x2d: {  	v0 =	vld [tilespmem:s23+$0x18700];
	_ =	sdelay $0x7  }
0x2e: {  	s24 =	simm.s32 $0x10;
	s25 =	simm.s32 $0x80;
	v0 =	vld.idx.msk [tilespmem:v0+s3+$0x0], $0xffff  }
.LBB2_3:
0x2f: {  	p1 =	sne.s32 s25, $0x7FC0;
	v1 =	vld [tilespmem:s24+$0x18700];
	_ =	sdelay $0x3  }
.Ltmp3:
0x30: {  	(pc) =	sbr.rel @p1 .LBB2_3-.Ltmp3, $2  }
0x31: {  	[tilespmem:s23+$0x1C700] =	vst v0;
	s23 =	smov.u32 s24;
	_ =	sdelay $0x2  }
0x32: {  	s24 =	sshra.s32 s25, $0x2;
	s25 =	sadd.s32 $0x40, s25;
	v0 =	vld.idx.msk [tilespmem:v1+s3+$0x0], $0xffff  }
0x33: {  	v1 =	vld [tilespmem:s24+$0x18700];
	_ =	sdelay $0x6  }
0x34: {  	[tilespmem:s23+$0x1C700] =	vst v0  }
0x35: {  	v0 =	vld.idx.msk [tilespmem:v1+s3+$0x0], $0xffff;
	_ =	sdelay $0x4  }
0x36: {  	s23 =	simm.s32 $0x1C700;
	[tilespmem:s24+$0x1C700] =	vst v0  }
0x37: {  	[hbm4b:s5+s19] =	stream.strided.scatter [tilespmem:s23], [sflag:$0x1], $0x2000, s20, s19, $0x38;
	[tilespmem:$0x1E700] =	vst v63  }
0x38: {  	_ =	swait.ge [sflag:s18], $0x2000  }
0x39: {  	s30 =	simm.s32 $0x0;
	[sflag:s18] =	ssyncset.done $0x0  }
0x3a: {  	s24 =	sand.u32 $0x1FF0, s30;
	[sflag:s18] =	ssyncadd.s32 $0xFFFFE000  }
0x3b: {  	v63 =	vld [tilespmem:s24+$0x1A700];
	_ =	sdelay $0x7  }
0x3c: {  	v0 =	vld.idx.msk [tilespmem:v63+s3+$0x0], $0xffff;
	_ =	sdelay $0x3  }
0x3d: {  	s31 =	simm.s32 $0x10  }
0x3e: {  	s25 =	sand.u32 $0x1FF0, s31;
	s24 =	simm.s32 $0x20;
	[tilespmem:s23+$0x0] =	vst v0  }
.LBB2_5:
0x3f: {  	p1 =	sne.s32 s24, $0x1FF0;
	v0 =	vld [tilespmem:s25+$0x1A700];
	_ =	sdelay $0x7  }
0x40: {  	v0 =	vld.idx.msk [tilespmem:v0+s3+$0x0], $0xffff;
	_ =	sdelay $0x1  }
.Ltmp4:
0x41: {  	(pc) =	sbr.rel @p1 .LBB2_5-.Ltmp4, $3  }
0x42: {  	_ =	sdelay $0x1  }
0x43: {  	s23 =	sadd.s32 $0x10, s23  }
0x44: {  	s25 =	sand.u32 $0x1FF0, s24;
	s24 =	sadd.s32 $0x10, s24;
	[tilespmem:s23+$0x0] =	vst v0  }
0x45: {  	v0 =	vld [tilespmem:s25+$0x1A700];
	_ =	sdelay $0x7  }
0x46: {  	v0 =	vld.idx.msk [tilespmem:v0+s3+$0x0], $0xffff;
	_ =	sdelay $0x3  }
0x47: {  	s23 =	sadd.s32 $0x10, s23  }
0x48: {  	[tilespmem:s23+$0x0] =	vst v0  }
0x49: {  	[hbm4b:s6+s19] =	stream.strided.scatter [tilespmem:s21], [sflag:$0x1], $0x2000, s20, s19, $0x38;
	[tilespmem:$0x1E700] =	vst v63  }
0x4a: {  	_ =	swait.ge [sflag:s18], $0x2000  }
0x4b: {  	[sflag:s18] =	ssyncset.done $0x0  }
0x4c: {  	s31 =	simm.s32 $0x0;
	[sflag:s18] =	ssyncadd.s32 $0xFFFFE000  }
0x4d: {  	[tilespmem:s31], [sflag:$0x1] =	stream.strided.gather [hbm4b:s7+s19], $0x18700, s20, s19, $0x38;
	[tilespmem:$0x1E700] =	vst v63  }
0x4e: {  	_ =	swait.ge [sflag:s18], $0x18700  }
0x4f: {  	[sflag:s18] =	ssyncset.done $0x0  }
0x50: {  	s23 =	simm.s32 $0x0;
	[sflag:s18] =	ssyncadd.s32 $0xFFFE7900  }
0x51: {  	v0 =	vld [tilespmem:s23+$0x18700];
	_ =	sdelay $0x7  }
0x52: {  	s24 =	simm.s32 $0x10;
	s25 =	simm.s32 $0x80;
	v0 =	vld.idx.msk [tilespmem:v0+s3+$0x0], $0xffff  }
.LBB2_7:
0x53: {  	p1 =	sne.s32 s25, $0x7FC0;
	v1 =	vld [tilespmem:s24+$0x18700];
	_ =	sdelay $0x3  }
.Ltmp5:
0x54: {  	(pc) =	sbr.rel @p1 .LBB2_7-.Ltmp5, $2  }
0x55: {  	[tilespmem:s23+$0x1C700] =	vst v0;
	s23 =	smov.u32 s24;
	_ =	sdelay $0x2  }
0x56: {  	s24 =	sshra.s32 s25, $0x2;
	s25 =	sadd.s32 $0x40, s25;
	v0 =	vld.idx.msk [tilespmem:v1+s3+$0x0], $0xffff  }
0x57: {  	v1 =	vld [tilespmem:s24+$0x18700];
	_ =	sdelay $0x6  }
0x58: {  	[tilespmem:s23+$0x1C700] =	vst v0  }
0x59: {  	v0 =	vld.idx.msk [tilespmem:v1+s3+$0x0], $0xffff;
	_ =	sdelay $0x4  }
0x5a: {  	s23 =	simm.s32 $0x1C700;
	[tilespmem:s24+$0x1C700] =	vst v0  }
0x5b: {  	[hbm4b:s8+s19] =	stream.strided.scatter [tilespmem:s23], [sflag:$0x1], $0x2000, s20, s19, $0x38;
	[tilespmem:$0x1E700] =	vst v63  }
0x5c: {  	_ =	swait.ge [sflag:s18], $0x2000  }
0x5d: {  	s30 =	simm.s32 $0x0;
	[sflag:s18] =	ssyncset.done $0x0  }
0x5e: {  	s24 =	sand.u32 $0x1FF0, s30;
	[sflag:s18] =	ssyncadd.s32 $0xFFFFE000  }
0x5f: {  	v63 =	vld [tilespmem:s24+$0x1A700];
	_ =	sdelay $0x7  }
0x60: {  	v0 =	vld.idx.msk [tilespmem:v63+s3+$0x0], $0xffff;
	_ =	sdelay $0x3  }
0x61: {  	s31 =	simm.s32 $0x10  }
0x62: {  	s25 =	sand.u32 $0x1FF0, s31;
	s24 =	simm.s32 $0x20;
	[tilespmem:s23+$0x0] =	vst v0  }
.LBB2_9:
0x63: {  	p1 =	sne.s32 s24, $0x1FF0;
	v0 =	vld [tilespmem:s25+$0x1A700];
	_ =	sdelay $0x7  }
0x64: {  	v0 =	vld.idx.msk [tilespmem:v0+s3+$0x0], $0xffff;
	_ =	sdelay $0x1  }
.Ltmp6:
0x65: {  	(pc) =	sbr.rel @p1 .LBB2_9-.Ltmp6, $3  }
0x66: {  	_ =	sdelay $0x1  }
0x67: {  	s23 =	sadd.s32 $0x10, s23  }
0x68: {  	s25 =	sand.u32 $0x1FF0, s24;
	s24 =	sadd.s32 $0x10, s24;
	[tilespmem:s23+$0x0] =	vst v0  }
0x69: {  	v0 =	vld [tilespmem:s25+$0x1A700];
	_ =	sdelay $0x7  }
0x6a: {  	v0 =	vld.idx.msk [tilespmem:v0+s3+$0x0], $0xffff;
	_ =	sdelay $0x3  }
0x6b: {  	s23 =	sadd.s32 $0x10, s23  }
0x6c: {  	[tilespmem:s23+$0x0] =	vst v0  }
0x6d: {  	[hbm4b:s9+s19] =	stream.strided.scatter [tilespmem:s21], [sflag:$0x1], $0x2000, s20, s19, $0x38;
	[tilespmem:$0x1E700] =	vst v63  }
0x6e: {  	_ =	swait.ge [sflag:s18], $0x2000  }
0x6f: {  	[sflag:s18] =	ssyncset.done $0x0  }
0x70: {  	s31 =	simm.s32 $0x0;
	[sflag:s18] =	ssyncadd.s32 $0xFFFFE000  }
0x71: {  	[tilespmem:s31], [sflag:$0x1] =	stream.strided.gather [hbm4b:s10+s19], $0x18700, s20, s19, $0x38;
	[tilespmem:$0x1E700] =	vst v63  }
0x72: {  	_ =	swait.ge [sflag:s18], $0x18700  }
0x73: {  	[sflag:s18] =	ssyncset.done $0x0  }
0x74: {  	s23 =	simm.s32 $0x0;
	[sflag:s18] =	ssyncadd.s32 $0xFFFE7900  }
0x75: {  	v0 =	vld [tilespmem:s23+$0x18700];
	_ =	sdelay $0x7  }
0x76: {  	s24 =	simm.s32 $0x10;
	s25 =	simm.s32 $0x80;
	v0 =	vld.idx.msk [tilespmem:v0+s3+$0x0], $0xffff  }
.LBB2_11:
0x77: {  	p1 =	sne.s32 s25, $0x7FC0;
	v1 =	vld [tilespmem:s24+$0x18700];
	_ =	sdelay $0x3  }
.Ltmp7:
0x78: {  	(pc) =	sbr.rel @p1 .LBB2_11-.Ltmp7, $2  }
0x79: {  	[tilespmem:s23+$0x1C700] =	vst v0;
	s23 =	smov.u32 s24;
	_ =	sdelay $0x2  }
0x7a: {  	s24 =	sshra.s32 s25, $0x2;
	s25 =	sadd.s32 $0x40, s25;
	v0 =	vld.idx.msk [tilespmem:v1+s3+$0x0], $0xffff  }
0x7b: {  	v1 =	vld [tilespmem:s24+$0x18700];
	_ =	sdelay $0x6  }
0x7c: {  	[tilespmem:s23+$0x1C700] =	vst v0  }
0x7d: {  	v0 =	vld.idx.msk [tilespmem:v1+s3+$0x0], $0xffff;
	_ =	sdelay $0x4  }
0x7e: {  	s23 =	simm.s32 $0x1C700;
	[tilespmem:s24+$0x1C700] =	vst v0  }
0x7f: {  	[hbm4b:s11+s19] =	stream.strided.scatter [tilespmem:s23], [sflag:$0x1], $0x2000, s20, s19, $0x38;
	[tilespmem:$0x1E700] =	vst v63  }
0x80: {  	_ =	swait.ge [sflag:s18], $0x2000  }
0x81: {  	s30 =	simm.s32 $0x0;
	[sflag:s18] =	ssyncset.done $0x0  }
0x82: {  	s24 =	sand.u32 $0x1FF0, s30;
	[sflag:s18] =	ssyncadd.s32 $0xFFFFE000  }
0x83: {  	v63 =	vld [tilespmem:s24+$0x1A700];
	_ =	sdelay $0x7  }
0x84: {  	v0 =	vld.idx.msk [tilespmem:v63+s3+$0x0], $0xffff;
	_ =	sdelay $0x3  }
0x85: {  	s31 =	simm.s32 $0x10  }
0x86: {  	s25 =	sand.u32 $0x1FF0, s31;
	s24 =	simm.s32 $0x20;
	[tilespmem:s23+$0x0] =	vst v0  }
.LBB2_13:
0x87: {  	p1 =	sne.s32 s24, $0x1FF0;
	v0 =	vld [tilespmem:s25+$0x1A700];
	_ =	sdelay $0x7  }
0x88: {  	v0 =	vld.idx.msk [tilespmem:v0+s3+$0x0], $0xffff;
	_ =	sdelay $0x1  }
.Ltmp8:
0x89: {  	(pc) =	sbr.rel @p1 .LBB2_13-.Ltmp8, $3  }
0x8a: {  	_ =	sdelay $0x1  }
0x8b: {  	s23 =	sadd.s32 $0x10, s23  }
0x8c: {  	s25 =	sand.u32 $0x1FF0, s24;
	s24 =	sadd.s32 $0x10, s24;
	[tilespmem:s23+$0x0] =	vst v0  }
0x8d: {  	v0 =	vld [tilespmem:s25+$0x1A700];
	_ =	sdelay $0x7  }
0x8e: {  	v0 =	vld.idx.msk [tilespmem:v0+s3+$0x0], $0xffff;
	_ =	sdelay $0x3  }
0x8f: {  	s23 =	sadd.s32 $0x10, s23  }
0x90: {  	[tilespmem:s23+$0x0] =	vst v0  }
0x91: {  	[hbm4b:s12+s19] =	stream.strided.scatter [tilespmem:s21], [sflag:$0x1], $0x2000, s20, s19, $0x38;
	[tilespmem:$0x1E700] =	vst v63  }
0x92: {  	_ =	swait.ge [sflag:s18], $0x2000  }
0x93: {  	[sflag:s18] =	ssyncset.done $0x0  }
0x94: {  	s31 =	simm.s32 $0x0;
	[sflag:s18] =	ssyncadd.s32 $0xFFFFE000  }
0x95: {  	[tilespmem:s31], [sflag:$0x1] =	stream.strided.gather [hbm4b:s13+s19], $0x18700, s20, s19, $0x38;
	[tilespmem:$0x1E700] =	vst v63  }
0x96: {  	_ =	swait.ge [sflag:s18], $0x18700  }
0x97: {  	[sflag:s18] =	ssyncset.done $0x0  }
0x98: {  	s23 =	simm.s32 $0x0;
	[sflag:s18] =	ssyncadd.s32 $0xFFFE7900  }
0x99: {  	v0 =	vld [tilespmem:s23+$0x18700];
	_ =	sdelay $0x7  }
0x9a: {  	s24 =	simm.s32 $0x10;
	s25 =	simm.s32 $0x80;
	v0 =	vld.idx.msk [tilespmem:v0+s3+$0x0], $0xffff  }
.LBB2_15:
0x9b: {  	p1 =	sne.s32 s25, $0x7FC0;
	v1 =	vld [tilespmem:s24+$0x18700];
	_ =	sdelay $0x3  }
.Ltmp9:
0x9c: {  	(pc) =	sbr.rel @p1 .LBB2_15-.Ltmp9, $2  }
0x9d: {  	[tilespmem:s23+$0x1C700] =	vst v0;
	s23 =	smov.u32 s24;
	_ =	sdelay $0x2  }
0x9e: {  	s24 =	sshra.s32 s25, $0x2;
	s25 =	sadd.s32 $0x40, s25;
	v0 =	vld.idx.msk [tilespmem:v1+s3+$0x0], $0xffff  }
0x9f: {  	v1 =	vld [tilespmem:s24+$0x18700];
	_ =	sdelay $0x6  }
0xa0: {  	[tilespmem:s23+$0x1C700] =	vst v0  }
0xa1: {  	v0 =	vld.idx.msk [tilespmem:v1+s3+$0x0], $0xffff;
	_ =	sdelay $0x4  }
0xa2: {  	s23 =	simm.s32 $0x1C700;
	[tilespmem:s24+$0x1C700] =	vst v0  }
0xa3: {  	[hbm4b:s14+s19] =	stream.strided.scatter [tilespmem:s23], [sflag:$0x1], $0x2000, s20, s19, $0x38;
	[tilespmem:$0x1E700] =	vst v63  }
0xa4: {  	_ =	swait.ge [sflag:s18], $0x2000  }
0xa5: {  	s30 =	simm.s32 $0x0;
	[sflag:s18] =	ssyncset.done $0x0  }
0xa6: {  	s24 =	sand.u32 $0x1FF0, s30;
	[sflag:s18] =	ssyncadd.s32 $0xFFFFE000  }
0xa7: {  	v63 =	vld [tilespmem:s24+$0x1A700];
	_ =	sdelay $0x7  }
0xa8: {  	v0 =	vld.idx.msk [tilespmem:v63+s3+$0x0], $0xffff;
	_ =	sdelay $0x3  }
0xa9: {  	s31 =	simm.s32 $0x10  }
0xaa: {  	s25 =	sand.u32 $0x1FF0, s31;
	s24 =	simm.s32 $0x20;
	[tilespmem:s23+$0x0] =	vst v0  }
.LBB2_17:
0xab: {  	p1 =	sne.s32 s24, $0x1FF0;
	v0 =	vld [tilespmem:s25+$0x1A700];
	_ =	sdelay $0x7  }
0xac: {  	v0 =	vld.idx.msk [tilespmem:v0+s3+$0x0], $0xffff;
	_ =	sdelay $0x1  }
.Ltmp10:
0xad: {  	(pc) =	sbr.rel @p1 .LBB2_17-.Ltmp10, $3  }
0xae: {  	_ =	sdelay $0x1  }
0xaf: {  	s23 =	sadd.s32 $0x10, s23  }
0xb0: {  	s25 =	sand.u32 $0x1FF0, s24;
	s24 =	sadd.s32 $0x10, s24;
	[tilespmem:s23+$0x0] =	vst v0  }
.Ltmp11:
0xb1: {  	_ = 	snop;
	(pc) =	sbr.rel .LBB2_18-.Ltmp11, $1  }
0xb2: {  	_ =	sdelay $0x3  }
.LBB2_20:
0xb3: {  	_ =	sfence.sel $0x180000  }
0xb4: {  	[bflag:$0x0] =	sbarrier.arrive $0xFFFF  }
0xb5: {  	p0 =	sne.s32 s2, $0x0;
	_ =	strace $0x90000047  }
0xb6: {  	s0 =	sadd.s32 @!p0 $0x100000, s0;
	[bflag:$0x2] =	sbarrier.arrive $0xFFFF  }
0xb7: {  	[sflag:s0] =	ssyncadd.tile.s32 @!p0 $0x1;
	_ =	shalt  }
.Lfunc_end2:
_tile_overlayer_lowered:
.L_overlay_start_2:
0xb8: {  	(tag) =	ssettag $0x2  }
0xb9: {  	s0 =	rddreg [dreg:$0x0];
	s2 =	stileid.u32  }
0xba: {  	s1 =	rddreg [dreg:$0x1];
	p0 =	sne.s32 s2, $0x0  }
0xbb: {  	s3 =	rddreg [dreg:$0x2];
	[bflag:$0x3] =	sbarrier.arrive $0xFFFF;
	s2 =	simm.s32 @!p0 $0x1C01  }
0xbc: {  	[timem:s3], [sflag:s2] =	dma.local @!p0 [hbm:s0], s1  }
0xbd: {  	s0 =	simm.s32 @!p0 $0x1  }
0xbe: {  	_ =	swait.ge @!p0 [sflag:s0], s1  }
0xbf: {  	s1 =	ssub.s32 @!p0 $0x0, s1;
	[sflag:s0] =	ssyncset.done @!p0 $0x0  }
0xc0: {  	[sflag:s0] =	ssyncadd.s32 @!p0 s1  }
0xc1: {  	[bflag:$0x3] =	sbarrier.arrive $0xFFFF  }
0xc2: {  	_ =	shalt  }

</sc_bundles>
